<compile_context>
chip_gen: v7x
topology: tpu7x:2x2x1
jax: 0.10.2.dev20260603
libtpu: 0.0.44.dev20260713+nightly
codegen_flags: <defaults>
</compile_context>

<pallas_src>
import functools

import jax
import jax.numpy as jnp
import numpy as np
from jax import lax
from jax.experimental import pallas as pl
from jax.experimental.pallas import tpu as pltpu
from jax.experimental.pallas import tpu_sc as plsc

_P = 32
_FRAC = 0.2
_B, _C, _H, _W = 16, 3, 512, 512
_HB, _WB = _H // _P, _W // _P
_N = _B * _HB * _WB
_R = _B * _C * _H * _W // _P

_NC, _NS = 2, 16
_NW = _NC * _NS
_ROWS_PER_W = _R // _NW
_CHUNK = 128
_NCHUNK = _ROWS_PER_W // _CHUNK
_K = 4
_SROWS = _K * _CHUNK
_NSUPER = _ROWS_PER_W // _SROWS
_NBUF = 4
_LOOK = 2


def _build_tables():
    rng = np.random.default_rng(0)
    idxs = np.arange(_N)
    shuffled_idxs = rng.permutation(idxs)[: int(_N * _FRAC)]
    _shuffle_idxs = rng.permutation(shuffled_idxs)

    perm = np.arange(_N)
    perm[shuffled_idxs] = _shuffle_idxs

    bp, hbp, wbp = perm // 256, (perm // 16) % 16, perm % 16
    b_n = np.arange(_N) // 256
    hb_n = (np.arange(_N) // 16) % 16
    wb_n = np.arange(_N) % 16
    code = lambda w: (w // 4) * 32 + (w % 4)
    delta = ((bp - b_n) * _C * 8192 + (hbp - hb_n) * 512
             + code(wbp) - code(wb_n)).astype(np.int32)

    mask = np.ones(_N, np.float32)
    mask[shuffled_idxs] = 0.0
    list_same = shuffled_idxs[shuffled_idxs == _shuffle_idxs]
    mask[list_same] = 1.0
    mask = mask.reshape(_B, _HB, _WB)[:, None]
    return delta, mask


_DELTA, _MASK = _build_tables()
_GPW = _ROWS_PER_W // 32
_GPS = _SROWS // 32


@functools.partial(
    pl.kernel,
    out_type=jax.ShapeDtypeStruct((_R, _P), jnp.float32),
    mesh=plsc.VectorSubcoreMesh(core_axis_name="c", subcore_axis_name="s"),
    scratch_types=[
        pltpu.VMEM((_N,), jnp.int32),
        pltpu.VMEM((_NBUF, _SROWS), jnp.int32),
        pltpu.VMEM((_NBUF, _SROWS, _P), jnp.float32),
        [pltpu.SemaphoreType.DMA] * _NBUF,
        [pltpu.SemaphoreType.DMA] * _NBUF,
    ],
    compiler_params=pltpu.CompilerParams(
        use_tc_tiling_on_sc=False,
        needs_layout_passes=False,
        disable_bounds_checks=True,
        disable_semaphore_checks=True,
    ),
)
def _gather_rows(src_hbm, delta_hbm, out_hbm, delta_v, idx_v, rows_v, gsem, ssem):
    wid = lax.axis_index("s") * _NC + lax.axis_index("c")
    base = wid * _ROWS_PER_W
    gbase = wid * _GPW
    pltpu.sync_copy(delta_hbm, delta_v)
    iota = lax.iota(jnp.int32, 16)
    lane4 = iota % 4

    def fire(sf, bf):
        def group_body(m, _):
            G = gbase + sf * _GPS + m
            t0 = G * 32
            n0 = ((G // 768) * 16 + (G % 256) // 16) * 16 + 4 * (G % 4)
            dval = plsc.load_gather(delta_v, [n0 + lane4])
            moved = lax.reduce_max(jnp.abs(dval), (0,))

            @pl.when(moved == 0)
            def _():
                pltpu.async_copy(
                    src_hbm.at[pl.ds(t0, 32)],
                    rows_v.at[bf].at[pl.ds(m * 32, 32)],
                    gsem[bf],
                )

            @pl.when(moved != 0)
            def _():
                idx_v.at[bf][pl.ds(m * 32, 16)] = t0 + iota + dval
                idx_v.at[bf][pl.ds(m * 32 + 16, 16)] = t0 + 16 + iota + dval
                pltpu.async_copy(
                    src_hbm.at[idx_v.at[bf].at[pl.ds(m * 32, 32)]],
                    rows_v.at[bf].at[pl.ds(m * 32, 32)],
                    gsem[bf],
                )

            return ()

        lax.fori_loop(0, _GPS, group_body, ())

    def drain_gather(bf):
        pltpu.make_async_copy(
            src_hbm.at[pl.ds(0, _SROWS)], rows_v.at[bf], gsem[bf]
        ).wait()

    def drain_store(bf):
        pltpu.make_async_copy(
            rows_v.at[bf], src_hbm.at[pl.ds(0, _SROWS)], ssem[bf]
        ).wait()

    for b in range(_LOOK):
        fire(jnp.int32(b), b)

    def body(t, _):
        for b in range(_NBUF):
            s = t * _NBUF + b
            bf = (b + _LOOK) % _NBUF
            sf = s + _LOOK

            @pl.when(jnp.logical_and(sf < _NSUPER, sf >= _NBUF))
            def _():
                drain_store(bf)

            @pl.when(sf < _NSUPER)
            def _():
                fire(sf, bf)

            drain_gather(b)
            pltpu.async_copy(
                rows_v.at[b], out_hbm.at[pl.ds(base + s * _SROWS, _SROWS)], ssem[b]
            )
        return ()

    lax.fori_loop(0, _NSUPER // _NBUF, body, ())

    for b in range(_NBUF):
        pltpu.make_async_copy(
            rows_v.at[b],
            out_hbm.at[pl.ds(base + (_NSUPER - _NBUF + b) * _SROWS, _SROWS)],
            ssem[b],
        ).wait()


def kernel(image):
    rows = (
        image.reshape(_B, _C, _H // 8, 8, _W // 128, 128)
        .transpose(0, 1, 2, 4, 3, 5)
        .reshape(_R, _P)
    )
    out = _gather_rows(rows, jnp.asarray(_DELTA))
    out = (
        out.reshape(_B, _C, _H // 8, _W // 128, 8, 128)
        .transpose(0, 1, 2, 4, 3, 5)
        .reshape(_B, _C, _H, _W)
    )
    return out, jnp.asarray(_MASK)

# --- scband reference (transcript-rebuilt; emitter-appended) ---
"""Pipeline reference for scband-corrupt-image-8735963480701 (READ-ONLY COPY).

The authoritative reference and input builder live on the scoring server;
editing this copy changes nothing except your own understanding.
"""

import jax, jax.numpy as jnp
import numpy as np

PATCH_SIZE = 32
FRAC = 0.2


def setup_inputs(seed: int = 0) -> dict:
    key = jax.random.key(seed)
    image = jax.random.normal(key, (16, 3, 512, 512), dtype=jnp.float32)
    return {"image": image}


def reference(image):
    p = PATCH_SIZE
    frac = FRAC
    B, C, H, W = image.shape
    hb, wb = H // p, W // p
    # torch unfold(1,C,C).unfold(2,p,p).unfold(3,p,p) equivalent:
    # out[b,0,hb,wb,c,hp,wp] = image[b,c,hb*p+hp,wb*p+wp]
    patches = image.reshape(B, C, hb, p, wb, p).transpose(0, 2, 4, 1, 3, 5)
    patches = patches.reshape(1, B * hb * wb, C, p, p)
    N = patches.shape[1]

    # deterministic stand-in for np.random.shuffle (indices are trace-time constants)
    rng = np.random.default_rng(0)
    idxs = np.arange(N)
    shuffled_idxs = rng.permutation(idxs)[: int(N * frac)]
    _shuffle_idxs = rng.permutation(shuffled_idxs)
    diff = shuffled_idxs - _shuffle_idxs
    list_same = shuffled_idxs[np.where(diff == 0)[0]]

    # disc mode: gather source patches then scatter-overwrite at shuffled positions
    src = patches[:, _shuffle_idxs]
    patches = patches.at[:, shuffled_idxs].set(src)

    # fold back: view(unfold_shape).permute(0,1,4,2,5,3,6).view(image.shape)
    corrupted = patches.reshape(B, 1, hb, wb, C, p, p)
    corrupted = corrupted.transpose(0, 1, 4, 2, 5, 3, 6).reshape(B, C, H, W)

    img_idxs = jnp.ones((1, N, 1, 1, 1), dtype=jnp.float32)
    img_idxs = img_idxs.at[:, shuffled_idxs].set(0.0)
    if list_same.size > 0:
        img_idxs = img_idxs.at[:, list_same].set(1.0)
    img_idxs = img_idxs.reshape(B, 1, hb, wb)
    img_idxs = img_idxs[..., None, None, None]
    img_idxs = img_idxs.transpose(0, 1, 4, 2, 5, 3, 6)
    img_idxs = img_idxs.reshape(B, hb, wb)
    img_idxs = img_idxs[:, None]
    return (corrupted, img_idxs)

if __name__ == "__main__":
    import jax
    _d = setup_inputs()
    print(jax.jit(kernel)(*tuple(_d.values())))

</pallas_src>

<mosaic_0001>
#map = affine_map<(d0, d1) -> (0, 0)>
#map1 = affine_map<(d0, d1) -> (0)>
module attributes {stable_mosaic.version = 14 : i64} {
  func.func @_gather_rows(%arg0: i32, %arg1: i32, %arg2: memref<393216x32xf32, #tpu.memory_space<hbm>>, %arg3: memref<4096xi32, #tpu.memory_space<hbm>>, %arg4: memref<393216x32xf32, #tpu.memory_space<hbm>>, %arg5: memref<4096xi32, #tpu.memory_space<vmem>>, %arg6: memref<4x512xi32, #tpu.memory_space<vmem>>, %arg7: memref<4x512x32xf32, #tpu.memory_space<vmem>>, %arg8: memref<!tpu.dma_semaphore, #tpu.memory_space<semaphore_mem>>, %arg9: memref<!tpu.dma_semaphore, #tpu.memory_space<semaphore_mem>>, %arg10: memref<!tpu.dma_semaphore, #tpu.memory_space<semaphore_mem>>, %arg11: memref<!tpu.dma_semaphore, #tpu.memory_space<semaphore_mem>>, %arg12: memref<!tpu.dma_semaphore, #tpu.memory_space<semaphore_mem>>, %arg13: memref<!tpu.dma_semaphore, #tpu.memory_space<semaphore_mem>>, %arg14: memref<!tpu.dma_semaphore, #tpu.memory_space<semaphore_mem>>, %arg15: memref<!tpu.dma_semaphore, #tpu.memory_space<semaphore_mem>>) attributes {dimension_semantics = [#tpu.dimension_semantics<core_parallel>, #tpu.dimension_semantics<subcore_parallel>], iteration_bounds = array<i64: 2, 16>, scalar_prefetch = 0 : i64, scratch_operands = 11 : i64, tpu.core_type = #tpu.core_type<sc_vector_subcore>, window_params = [{transform_indices = #map}, {transform_indices = #map1}, {transform_indices = #map}]} {
    %mul3A = arith.constant 2 : i32
    %mul3A_0 = arith.muli %arg1, %mul3A : i32
    %add3A = arith.addi %mul3A_0, %arg0 : i32
    %mul3A_1 = arith.constant 12288 : i32
    %mul3A_2 = arith.muli %add3A, %mul3A_1 : i32
    %mul3A_3 = arith.constant 384 : i32
    %mul3A_4 = arith.muli %add3A, %mul3A_3 : i32
    "tpu.region"() ({
      %run_scoped3A = tpu.sem_alloc : memref<!tpu.dma_semaphore, #tpu.memory_space<semaphore_mem>>
      tpu.enqueue_dma source(%arg3 : memref<4096xi32, #tpu.memory_space<hbm>>) target(%arg5 : memref<4096xi32, #tpu.memory_space<vmem>>) target_semaphore(%run_scoped3A : memref<!tpu.dma_semaphore, #tpu.memory_space<semaphore_mem>>)
      tpu.wait_dma2 semaphore(%run_scoped3A : memref<!tpu.dma_semaphore, #tpu.memory_space<semaphore_mem>>) src(%arg3 : memref<4096xi32, #tpu.memory_space<hbm>>) dst(%arg5 : memref<4096xi32, #tpu.memory_space<vmem>>)
      tpu.yield
    }) : () -> ()
    %iota3A = tpu.iota {dimensions = array<i32: 0>} : vector<16xi32>
    %jit3A = arith.constant 4 : i32
    %eq3A = arith.constant 0 : i32
    %eq3A_5 = arith.cmpi eq, %jit3A, %eq3A : i32
    %jit3A_6 = arith.constant 1 : i32
    %select_n3A = arith.select %eq3A_5, %jit3A_6, %jit3A : i32
    %rem3A = vector.broadcast %select_n3A : i32 to vector<16xi32>
    %rem3A_7 = arith.remsi %iota3A, %rem3A : vector<16xi32>
    %ne3A = arith.constant 0 : i32
    %ne3A_8 = vector.broadcast %ne3A : i32 to vector<16xi32>
    %ne3A_9 = arith.cmpi ne, %rem3A_7, %ne3A_8 : vector<16xi32>
    %lt3A = arith.constant 0 : i32
    %lt3A_10 = vector.broadcast %lt3A : i32 to vector<16xi32>
    %lt3A_11 = arith.cmpi slt, %rem3A_7, %lt3A_10 : vector<16xi32>
    %lt3A_12 = arith.constant 0 : i32
    %lt3A_13 = arith.cmpi slt, %select_n3A, %lt3A_12 : i32
    %ne3A_14 = vector.broadcast %lt3A_13 : i1 to vector<16xi1>
    %ne3A_15 = vector.broadcast %ne3A_14 : vector<16xi1> to vector<16xi1>
    %ne3A_16 = arith.xori %lt3A_11, %ne3A_15 : vector<16xi1>
    %and3A = arith.andi %ne3A_16, %ne3A_9 : vector<16xi1>
    %add3A_17 = vector.broadcast %select_n3A : i32 to vector<16xi32>
    %add3A_18 = arith.addi %rem3A_7, %add3A_17 : vector<16xi32>
    %select_n3A_19 = arith.select %and3A, %add3A_18, %rem3A_7 : vector<16xi1>, vector<16xi32>
    %scan3A = arith.constant 0 : i32
    %scan3A_20 = arith.constant 0 : i32
    %scan3A_21 = arith.constant 16 : i32
    %scan3A_22 = arith.addi %scan3A_20, %scan3A_21 : i32
    %scan3A_23 = arith.constant 1 : i32
    scf.for %scan3A_95 = %scan3A_20 to %scan3A_22 step %scan3A_23  : i32 {
      %mul3A_96 = arith.constant 16 : i32
      %mul3A_97 = arith.muli %scan3A, %mul3A_96 : i32
      %add3A_98 = arith.addi %mul3A_4, %mul3A_97 : i32
      %add3A_99 = arith.addi %add3A_98, %scan3A_95 : i32
      %mul3A_100 = arith.constant 32 : i32
      %mul3A_101 = arith.muli %add3A_99, %mul3A_100 : i32
      %jit3A_102 = arith.constant 768 : i32
      %div3A = arith.divsi %add3A_99, %jit3A_102 : i32
      %sign3A = arith.constant 0 : i32
      %sign3A_103 = arith.cmpi sgt, %add3A_99, %sign3A : i32
      %sign3A_104 = arith.extui %sign3A_103 : i1 to i32
      %sign3A_105 = arith.constant 0 : i32
      %sign3A_106 = arith.cmpi slt, %add3A_99, %sign3A_105 : i32
      %sign3A_107 = arith.extui %sign3A_106 : i1 to i32
      %sign3A_108 = arith.subi %sign3A_104, %sign3A_107 : i32
      %sign3A_109 = arith.constant 0 : i32
      %sign3A_110 = arith.cmpi sgt, %jit3A_102, %sign3A_109 : i32
      %sign3A_111 = arith.extui %sign3A_110 : i1 to i32
      %sign3A_112 = arith.constant 0 : i32
      %sign3A_113 = arith.cmpi slt, %jit3A_102, %sign3A_112 : i32
      %sign3A_114 = arith.extui %sign3A_113 : i1 to i32
      %sign3A_115 = arith.subi %sign3A_111, %sign3A_114 : i32
      %ne3A_116 = arith.cmpi ne, %sign3A_108, %sign3A_115 : i32
      %rem3A_117 = arith.remsi %add3A_99, %jit3A_102 : i32
      %ne3A_118 = arith.constant 0 : i32
      %ne3A_119 = arith.cmpi ne, %rem3A_117, %ne3A_118 : i32
      %and3A_120 = arith.andi %ne3A_116, %ne3A_119 : i1
      %sub3A = arith.constant 1 : i32
      %sub3A_121 = arith.subi %div3A, %sub3A : i32
      %select_n3A_122 = arith.select %and3A_120, %sub3A_121, %div3A : i32
      %mul3A_123 = arith.constant 16 : i32
      %mul3A_124 = arith.muli %select_n3A_122, %mul3A_123 : i32
      %jit3A_125 = arith.constant 256 : i32
      %eq3A_126 = arith.constant 0 : i32
      %eq3A_127 = arith.cmpi eq, %jit3A_125, %eq3A_126 : i32
      %jit3A_128 = arith.constant 1 : i32
      %select_n3A_129 = arith.select %eq3A_127, %jit3A_128, %jit3A_125 : i32
      %rem3A_130 = arith.remsi %add3A_99, %select_n3A_129 : i32
      %ne3A_131 = arith.constant 0 : i32
      %ne3A_132 = arith.cmpi ne, %rem3A_130, %ne3A_131 : i32
      %lt3A_133 = arith.constant 0 : i32
      %lt3A_134 = arith.cmpi slt, %rem3A_130, %lt3A_133 : i32
      %lt3A_135 = arith.constant 0 : i32
      %lt3A_136 = arith.cmpi slt, %select_n3A_129, %lt3A_135 : i32
      %ne3A_137 = arith.xori %lt3A_134, %lt3A_136 : i1
      %and3A_138 = arith.andi %ne3A_137, %ne3A_132 : i1
      %add3A_139 = arith.addi %rem3A_130, %select_n3A_129 : i32
      %select_n3A_140 = arith.select %and3A_138, %add3A_139, %rem3A_130 : i32
      %jit3A_141 = arith.constant 16 : i32
      %div3A_142 = arith.divsi %select_n3A_140, %jit3A_141 : i32
      %sign3A_143 = arith.constant 0 : i32
      %sign3A_144 = arith.cmpi sgt, %select_n3A_140, %sign3A_143 : i32
      %sign3A_145 = arith.extui %sign3A_144 : i1 to i32
      %sign3A_146 = arith.constant 0 : i32
      %sign3A_147 = arith.cmpi slt, %select_n3A_140, %sign3A_146 : i32
      %sign3A_148 = arith.extui %sign3A_147 : i1 to i32
      %sign3A_149 = arith.subi %sign3A_145, %sign3A_148 : i32
      %sign3A_150 = arith.constant 0 : i32
      %sign3A_151 = arith.cmpi sgt, %jit3A_141, %sign3A_150 : i32
      %sign3A_152 = arith.extui %sign3A_151 : i1 to i32
      %sign3A_153 = arith.constant 0 : i32
      %sign3A_154 = arith.cmpi slt, %jit3A_141, %sign3A_153 : i32
      %sign3A_155 = arith.extui %sign3A_154 : i1 to i32
      %sign3A_156 = arith.subi %sign3A_152, %sign3A_155 : i32
      %ne3A_157 = arith.cmpi ne, %sign3A_149, %sign3A_156 : i32
      %rem3A_158 = arith.remsi %select_n3A_140, %jit3A_141 : i32
      %ne3A_159 = arith.constant 0 : i32
      %ne3A_160 = arith.cmpi ne, %rem3A_158, %ne3A_159 : i32
      %and3A_161 = arith.andi %ne3A_157, %ne3A_160 : i1
      %sub3A_162 = arith.constant 1 : i32
      %sub3A_163 = arith.subi %div3A_142, %sub3A_162 : i32
      %select_n3A_164 = arith.select %and3A_161, %sub3A_163, %div3A_142 : i32
      %add3A_165 = arith.addi %mul3A_124, %select_n3A_164 : i32
      %mul3A_166 = arith.constant 16 : i32
      %mul3A_167 = arith.muli %add3A_165, %mul3A_166 : i32
      %jit3A_168 = arith.constant 4 : i32
      %eq3A_169 = arith.constant 0 : i32
      %eq3A_170 = arith.cmpi eq, %jit3A_168, %eq3A_169 : i32
      %jit3A_171 = arith.constant 1 : i32
      %select_n3A_172 = arith.select %eq3A_170, %jit3A_171, %jit3A_168 : i32
      %rem3A_173 = arith.remsi %add3A_99, %select_n3A_172 : i32
      %ne3A_174 = arith.constant 0 : i32
      %ne3A_175 = arith.cmpi ne, %rem3A_173, %ne3A_174 : i32
      %lt3A_176 = arith.constant 0 : i32
      %lt3A_177 = arith.cmpi slt, %rem3A_173, %lt3A_176 : i32
      %lt3A_178 = arith.constant 0 : i32
      %lt3A_179 = arith.cmpi slt, %select_n3A_172, %lt3A_178 : i32
      %ne3A_180 = arith.xori %lt3A_177, %lt3A_179 : i1
      %and3A_181 = arith.andi %ne3A_180, %ne3A_175 : i1
      %add3A_182 = arith.addi %rem3A_173, %select_n3A_172 : i32
      %select_n3A_183 = arith.select %and3A_181, %add3A_182, %rem3A_173 : i32
      %mul3A_184 = arith.constant 4 : i32
      %mul3A_185 = arith.muli %mul3A_184, %select_n3A_183 : i32
      %add3A_186 = arith.addi %mul3A_167, %mul3A_185 : i32
      %add3A_187 = vector.broadcast %add3A_186 : i32 to vector<16xi32>
      %add3A_188 = arith.addi %add3A_187, %select_n3A_19 : vector<16xi32>
      %gather3A = tpu.vector_load_idx %arg5[%add3A_188] : memref<4096xi32, #tpu.memory_space<vmem>>[vector<16xi32>], vector<16xi32>,
      %abs3A = math.absi %gather3A : vector<16xi32>
      %reduce_max3A = arith.constant true
      %reduce_max3A_189 = vector.broadcast %reduce_max3A : i1 to vector<16xi1>
      %reduce_max3A_190 = arith.constant -2147483648 : i32
      %reduce_max3A_191 = vector.broadcast %reduce_max3A_190 : i32 to vector<16xi32>
      %reduce_max3A_192 = arith.xori %abs3A, %reduce_max3A_191 : vector<16xi32>
      %reduce_max3A_193 = tpu.scan <max>, %reduce_max3A_192 masked %reduce_max3A_189 : vector<16xi32>, vector<16xi1> -> vector<16xi32>
      %reduce_max3A_194 = arith.xori %reduce_max3A_193, %reduce_max3A_191 : vector<16xi32>
      %reduce_max3A_195 = vector.extract %reduce_max3A_194[15] : i32 from vector<16xi32>
      %eq3A_196 = arith.constant 0 : i32
      %eq3A_197 = arith.cmpi eq, %reduce_max3A_195, %eq3A_196 : i32
      %convert_element_type3A = arith.extui %eq3A_197 : i1 to i32
      %cond3A = arith.constant 0 : i32
      %cond3A_198 = arith.cmpi ne, %convert_element_type3A, %cond3A : i32
      scf.if %cond3A_198 {
        %mul3A_204 = arith.constant 32 : i32
        %mul3A_205 = arith.muli %scan3A_95, %mul3A_204 : i32
        %dma_start3A = arith.constant 0 : i32
        %dma_start3A_206 = arith.constant 0 : i32
        %dma_start3A_207 = arith.constant 0 : i32
        %dma_start3A_208 = tpu.memref_slice %arg7[%dma_start3A, %dma_start3A_206, %dma_start3A_207] : memref<4x512x32xf32, #tpu.memory_space<vmem>> -> memref<1x512x32xf32, #tpu.memory_space<vmem>>
        %dma_start3A_209 = tpu.memref_squeeze %dma_start3A_208 : memref<1x512x32xf32, #tpu.memory_space<vmem>> -> memref<512x32xf32, #tpu.memory_space<vmem>>
        %dma_start3A_210 = arith.constant 0 : i32
        %dma_start3A_211 = tpu.memref_slice %dma_start3A_209[%mul3A_205, %dma_start3A_210] : memref<512x32xf32, #tpu.memory_space<vmem>> -> memref<32x32xf32, #tpu.memory_space<vmem>>
        %dma_start3A_212 = arith.constant 0 : i32
        %dma_start3A_213 = tpu.memref_slice %arg2[%mul3A_101, %dma_start3A_212] : memref<393216x32xf32, #tpu.memory_space<hbm>> -> memref<32x32xf32, #tpu.memory_space<hbm>>
        %dma_start3A_214 = arith.constant 0 : i32
        %dma_start3A_215 = arith.constant 0 : i32
        %dma_start3A_216 = tpu.memref_slice %arg7[%dma_start3A, %dma_start3A_214, %dma_start3A_215] : memref<4x512x32xf32, #tpu.memory_space<vmem>> -> memref<1x512x32xf32, #tpu.memory_space<vmem>>
        %dma_start3A_217 = tpu.memref_squeeze %dma_start3A_216 : memref<1x512x32xf32, #tpu.memory_space<vmem>> -> memref<512x32xf32, #tpu.memory_space<vmem>>
        %dma_start3A_218 = arith.constant 0 : i32
        %dma_start3A_219 = tpu.memref_slice %dma_start3A_217[%mul3A_205, %dma_start3A_218] : memref<512x32xf32, #tpu.memory_space<vmem>> -> memref<32x32xf32, #tpu.memory_space<vmem>>
        %dma_start3A_220 = arith.constant 0 : i32
        %dma_start3A_221 = tpu.memref_slice %arg2[%mul3A_101, %dma_start3A_220] : memref<393216x32xf32, #tpu.memory_space<hbm>> -> memref<32x32xf32, #tpu.memory_space<hbm>>
        tpu.enqueue_dma source(%dma_start3A_221 : memref<32x32xf32, #tpu.memory_space<hbm>>) target(%dma_start3A_219 : memref<32x32xf32, #tpu.memory_space<vmem>>) target_semaphore(%arg8 : memref<!tpu.dma_semaphore, #tpu.memory_space<semaphore_mem>>)
      } else {
      }
      %ne3A_199 = arith.constant 0 : i32
      %ne3A_200 = arith.cmpi ne, %reduce_max3A_195, %ne3A_199 : i32
      %convert_element_type3A_201 = arith.extui %ne3A_200 : i1 to i32
      %cond3A_202 = arith.constant 0 : i32
      %cond3A_203 = arith.cmpi ne, %convert_element_type3A_201, %cond3A_202 : i32
      scf.if %cond3A_203 {
        %add3A_204 = vector.broadcast %mul3A_101 : i32 to vector<16xi32>
        %add3A_205 = arith.addi %add3A_204, %iota3A : vector<16xi32>
        %add3A_206 = arith.addi %add3A_205, %gather3A : vector<16xi32>
        %mul3A_207 = arith.constant 32 : i32
        %mul3A_208 = arith.muli %scan3A_95, %mul3A_207 : i32
        %swap3A = arith.constant 0 : i32
        %swap3A_209 = arith.constant 0 : i32
        %swap3A_210 = tpu.memref_slice %arg6[%swap3A, %swap3A_209] : memref<4x512xi32, #tpu.memory_space<vmem>> -> memref<1x512xi32, #tpu.memory_space<vmem>>
        %swap3A_211 = tpu.memref_squeeze %swap3A_210 : memref<1x512xi32, #tpu.memory_space<vmem>> -> memref<512xi32, #tpu.memory_space<vmem>>
        %swap3A_212 = arith.index_cast %mul3A_208 : i32 to index
        %swap3A_213 = tpu.vector_load %swap3A_211[%swap3A_212] {strides = array<i32>} : memref<512xi32, #tpu.memory_space<vmem>>, vector<16xi32>,
        tpu.vector_store %swap3A_211[%swap3A_212], %add3A_206 {strides = array<i32>} : memref<512xi32, #tpu.memory_space<vmem>>, vector<16xi32>,
        %add3A_214 = arith.constant 16 : i32
        %add3A_215 = arith.addi %mul3A_101, %add3A_214 : i32
        %add3A_216 = vector.broadcast %add3A_215 : i32 to vector<16xi32>
        %add3A_217 = arith.addi %add3A_216, %iota3A : vector<16xi32>
        %add3A_218 = arith.addi %add3A_217, %gather3A : vector<16xi32>
        %mul3A_219 = arith.constant 32 : i32
        %mul3A_220 = arith.muli %scan3A_95, %mul3A_219 : i32
        %add3A_221 = arith.constant 16 : i32
        %add3A_222 = arith.addi %mul3A_220, %add3A_221 : i32
        %swap3A_223 = arith.constant 0 : i32
        %swap3A_224 = arith.constant 0 : i32
        %swap3A_225 = tpu.memref_slice %arg6[%swap3A_223, %swap3A_224] : memref<4x512xi32, #tpu.memory_space<vmem>> -> memref<1x512xi32, #tpu.memory_space<vmem>>
        %swap3A_226 = tpu.memref_squeeze %swap3A_225 : memref<1x512xi32, #tpu.memory_space<vmem>> -> memref<512xi32, #tpu.memory_space<vmem>>
        %swap3A_227 = arith.index_cast %add3A_222 : i32 to index
        %swap3A_228 = tpu.vector_load %swap3A_226[%swap3A_227] {strides = array<i32>} : memref<512xi32, #tpu.memory_space<vmem>>, vector<16xi32>,
        tpu.vector_store %swap3A_226[%swap3A_227], %add3A_218 {strides = array<i32>} : memref<512xi32, #tpu.memory_space<vmem>>, vector<16xi32>,
        %mul3A_229 = arith.constant 32 : i32
        %mul3A_230 = arith.muli %scan3A_95, %mul3A_229 : i32
        %mul3A_231 = arith.constant 32 : i32
        %mul3A_232 = arith.muli %scan3A_95, %mul3A_231 : i32
        %dma_start3A = arith.constant 0 : i32
        %dma_start3A_233 = arith.constant 0 : i32
        %dma_start3A_234 = arith.constant 0 : i32
        %dma_start3A_235 = arith.constant 0 : i32
        %dma_start3A_236 = tpu.memref_slice %arg7[%dma_start3A_233, %dma_start3A_234, %dma_start3A_235] : memref<4x512x32xf32, #tpu.memory_space<vmem>> -> memref<1x512x32xf32, #tpu.memory_space<vmem>>
        %dma_start3A_237 = tpu.memref_squeeze %dma_start3A_236 : memref<1x512x32xf32, #tpu.memory_space<vmem>> -> memref<512x32xf32, #tpu.memory_space<vmem>>
        %dma_start3A_238 = arith.constant 0 : i32
        %dma_start3A_239 = tpu.memref_slice %dma_start3A_237[%mul3A_232, %dma_start3A_238] : memref<512x32xf32, #tpu.memory_space<vmem>> -> memref<32x32xf32, #tpu.memory_space<vmem>>
        %dma_start3A_240 = arith.constant 0 : i32
        %dma_start3A_241 = tpu.memref_slice %arg6[%dma_start3A, %dma_start3A_240] : memref<4x512xi32, #tpu.memory_space<vmem>> -> memref<1x512xi32, #tpu.memory_space<vmem>>
        %dma_start3A_242 = tpu.memref_squeeze %dma_start3A_241 : memref<1x512xi32, #tpu.memory_space<vmem>> -> memref<512xi32, #tpu.memory_space<vmem>>
        %dma_start3A_243 = tpu.memref_slice %dma_start3A_242[%mul3A_230] : memref<512xi32, #tpu.memory_space<vmem>> -> memref<32xi32, #tpu.memory_space<vmem>>
        %dma_start3A_244 = arith.constant 0 : i32
        %dma_start3A_245 = arith.constant 0 : i32
        %dma_start3A_246 = tpu.memref_slice %arg2[%dma_start3A_244, %dma_start3A_245] : memref<393216x32xf32, #tpu.memory_space<hbm>> -> memref<393216x32xf32, #tpu.memory_space<hbm>>
        tpu.enqueue_indirect_dma source(%dma_start3A_246 : memref<393216x32xf32, #tpu.memory_space<hbm>>) target(%dma_start3A_239 : memref<32x32xf32, #tpu.memory_space<vmem>>) offsets(%dma_start3A_243 : memref<32xi32, #tpu.memory_space<vmem>>) semaphore(%arg8 : memref<!tpu.dma_semaphore, #tpu.memory_space<semaphore_mem>>)
      } else {
      }
    }
    %scan3A_24 = arith.constant 16 : i32
    %scan3A_25 = arith.constant 1 : i32
    %scan3A_26 = arith.constant 0 : i32
    %scan3A_27 = arith.constant 16 : i32
    %scan3A_28 = arith.addi %scan3A_26, %scan3A_27 : i32
    %scan3A_29 = arith.constant 1 : i32
    scf.for %scan3A_95 = %scan3A_26 to %scan3A_28 step %scan3A_29  : i32 {
      %mul3A_96 = arith.constant 16 : i32
      %mul3A_97 = arith.muli %scan3A_25, %mul3A_96 : i32
      %add3A_98 = arith.addi %mul3A_4, %mul3A_97 : i32
      %add3A_99 = arith.addi %add3A_98, %scan3A_95 : i32
      %mul3A_100 = arith.constant 32 : i32
      %mul3A_101 = arith.muli %add3A_99, %mul3A_100 : i32
      %jit3A_102 = arith.constant 768 : i32
      %div3A = arith.divsi %add3A_99, %jit3A_102 : i32
      %sign3A = arith.constant 0 : i32
      %sign3A_103 = arith.cmpi sgt, %add3A_99, %sign3A : i32
      %sign3A_104 = arith.extui %sign3A_103 : i1 to i32
      %sign3A_105 = arith.constant 0 : i32
      %sign3A_106 = arith.cmpi slt, %add3A_99, %sign3A_105 : i32
      %sign3A_107 = arith.extui %sign3A_106 : i1 to i32
      %sign3A_108 = arith.subi %sign3A_104, %sign3A_107 : i32
      %sign3A_109 = arith.constant 0 : i32
      %sign3A_110 = arith.cmpi sgt, %jit3A_102, %sign3A_109 : i32
      %sign3A_111 = arith.extui %sign3A_110 : i1 to i32
      %sign3A_112 = arith.constant 0 : i32
      %sign3A_113 = arith.cmpi slt, %jit3A_102, %sign3A_112 : i32
      %sign3A_114 = arith.extui %sign3A_113 : i1 to i32
      %sign3A_115 = arith.subi %sign3A_111, %sign3A_114 : i32
      %ne3A_116 = arith.cmpi ne, %sign3A_108, %sign3A_115 : i32
      %rem3A_117 = arith.remsi %add3A_99, %jit3A_102 : i32
      %ne3A_118 = arith.constant 0 : i32
      %ne3A_119 = arith.cmpi ne, %rem3A_117, %ne3A_118 : i32
      %and3A_120 = arith.andi %ne3A_116, %ne3A_119 : i1
      %sub3A = arith.constant 1 : i32
      %sub3A_121 = arith.subi %div3A, %sub3A : i32
      %select_n3A_122 = arith.select %and3A_120, %sub3A_121, %div3A : i32
      %mul3A_123 = arith.constant 16 : i32
      %mul3A_124 = arith.muli %select_n3A_122, %mul3A_123 : i32
      %jit3A_125 = arith.constant 256 : i32
      %eq3A_126 = arith.constant 0 : i32
      %eq3A_127 = arith.cmpi eq, %jit3A_125, %eq3A_126 : i32
      %jit3A_128 = arith.constant 1 : i32
      %select_n3A_129 = arith.select %eq3A_127, %jit3A_128, %jit3A_125 : i32
      %rem3A_130 = arith.remsi %add3A_99, %select_n3A_129 : i32
      %ne3A_131 = arith.constant 0 : i32
      %ne3A_132 = arith.cmpi ne, %rem3A_130, %ne3A_131 : i32
      %lt3A_133 = arith.constant 0 : i32
      %lt3A_134 = arith.cmpi slt, %rem3A_130, %lt3A_133 : i32
      %lt3A_135 = arith.constant 0 : i32
      %lt3A_136 = arith.cmpi slt, %select_n3A_129, %lt3A_135 : i32
      %ne3A_137 = arith.xori %lt3A_134, %lt3A_136 : i1
      %and3A_138 = arith.andi %ne3A_137, %ne3A_132 : i1
      %add3A_139 = arith.addi %rem3A_130, %select_n3A_129 : i32
      %select_n3A_140 = arith.select %and3A_138, %add3A_139, %rem3A_130 : i32
      %jit3A_141 = arith.constant 16 : i32
      %div3A_142 = arith.divsi %select_n3A_140, %jit3A_141 : i32
      %sign3A_143 = arith.constant 0 : i32
      %sign3A_144 = arith.cmpi sgt, %select_n3A_140, %sign3A_143 : i32
      %sign3A_145 = arith.extui %sign3A_144 : i1 to i32
      %sign3A_146 = arith.constant 0 : i32
      %sign3A_147 = arith.cmpi slt, %select_n3A_140, %sign3A_146 : i32
      %sign3A_148 = arith.extui %sign3A_147 : i1 to i32
      %sign3A_149 = arith.subi %sign3A_145, %sign3A_148 : i32
      %sign3A_150 = arith.constant 0 : i32
      %sign3A_151 = arith.cmpi sgt, %jit3A_141, %sign3A_150 : i32
      %sign3A_152 = arith.extui %sign3A_151 : i1 to i32
      %sign3A_153 = arith.constant 0 : i32
      %sign3A_154 = arith.cmpi slt, %jit3A_141, %sign3A_153 : i32
      %sign3A_155 = arith.extui %sign3A_154 : i1 to i32
      %sign3A_156 = arith.subi %sign3A_152, %sign3A_155 : i32
      %ne3A_157 = arith.cmpi ne, %sign3A_149, %sign3A_156 : i32
      %rem3A_158 = arith.remsi %select_n3A_140, %jit3A_141 : i32
      %ne3A_159 = arith.constant 0 : i32
      %ne3A_160 = arith.cmpi ne, %rem3A_158, %ne3A_159 : i32
      %and3A_161 = arith.andi %ne3A_157, %ne3A_160 : i1
      %sub3A_162 = arith.constant 1 : i32
      %sub3A_163 = arith.subi %div3A_142, %sub3A_162 : i32
      %select_n3A_164 = arith.select %and3A_161, %sub3A_163, %div3A_142 : i32
      %add3A_165 = arith.addi %mul3A_124, %select_n3A_164 : i32
      %mul3A_166 = arith.constant 16 : i32
      %mul3A_167 = arith.muli %add3A_165, %mul3A_166 : i32
      %jit3A_168 = arith.constant 4 : i32
      %eq3A_169 = arith.constant 0 : i32
      %eq3A_170 = arith.cmpi eq, %jit3A_168, %eq3A_169 : i32
      %jit3A_171 = arith.constant 1 : i32
      %select_n3A_172 = arith.select %eq3A_170, %jit3A_171, %jit3A_168 : i32
      %rem3A_173 = arith.remsi %add3A_99, %select_n3A_172 : i32
      %ne3A_174 = arith.constant 0 : i32
      %ne3A_175 = arith.cmpi ne, %rem3A_173, %ne3A_174 : i32
      %lt3A_176 = arith.constant 0 : i32
      %lt3A_177 = arith.cmpi slt, %rem3A_173, %lt3A_176 : i32
      %lt3A_178 = arith.constant 0 : i32
      %lt3A_179 = arith.cmpi slt, %select_n3A_172, %lt3A_178 : i32
      %ne3A_180 = arith.xori %lt3A_177, %lt3A_179 : i1
      %and3A_181 = arith.andi %ne3A_180, %ne3A_175 : i1
      %add3A_182 = arith.addi %rem3A_173, %select_n3A_172 : i32
      %select_n3A_183 = arith.select %and3A_181, %add3A_182, %rem3A_173 : i32
      %mul3A_184 = arith.constant 4 : i32
      %mul3A_185 = arith.muli %mul3A_184, %select_n3A_183 : i32
      %add3A_186 = arith.addi %mul3A_167, %mul3A_185 : i32
      %add3A_187 = vector.broadcast %add3A_186 : i32 to vector<16xi32>
      %add3A_188 = arith.addi %add3A_187, %select_n3A_19 : vector<16xi32>
      %gather3A = tpu.vector_load_idx %arg5[%add3A_188] : memref<4096xi32, #tpu.memory_space<vmem>>[vector<16xi32>], vector<16xi32>,
      %abs3A = math.absi %gather3A : vector<16xi32>
      %reduce_max3A = arith.constant true
      %reduce_max3A_189 = vector.broadcast %reduce_max3A : i1 to vector<16xi1>
      %reduce_max3A_190 = arith.constant -2147483648 : i32
      %reduce_max3A_191 = vector.broadcast %reduce_max3A_190 : i32 to vector<16xi32>
      %reduce_max3A_192 = arith.xori %abs3A, %reduce_max3A_191 : vector<16xi32>
      %reduce_max3A_193 = tpu.scan <max>, %reduce_max3A_192 masked %reduce_max3A_189 : vector<16xi32>, vector<16xi1> -> vector<16xi32>
      %reduce_max3A_194 = arith.xori %reduce_max3A_193, %reduce_max3A_191 : vector<16xi32>
      %reduce_max3A_195 = vector.extract %reduce_max3A_194[15] : i32 from vector<16xi32>
      %eq3A_196 = arith.constant 0 : i32
      %eq3A_197 = arith.cmpi eq, %reduce_max3A_195, %eq3A_196 : i32
      %convert_element_type3A = arith.extui %eq3A_197 : i1 to i32
      %cond3A = arith.constant 0 : i32
      %cond3A_198 = arith.cmpi ne, %convert_element_type3A, %cond3A : i32
      scf.if %cond3A_198 {
        %mul3A_204 = arith.constant 32 : i32
        %mul3A_205 = arith.muli %scan3A_95, %mul3A_204 : i32
        %dma_start3A = arith.constant 1 : i32
        %dma_start3A_206 = arith.constant 0 : i32
        %dma_start3A_207 = arith.constant 0 : i32
        %dma_start3A_208 = tpu.memref_slice %arg7[%dma_start3A, %dma_start3A_206, %dma_start3A_207] : memref<4x512x32xf32, #tpu.memory_space<vmem>> -> memref<1x512x32xf32, #tpu.memory_space<vmem>>
        %dma_start3A_209 = tpu.memref_squeeze %dma_start3A_208 : memref<1x512x32xf32, #tpu.memory_space<vmem>> -> memref<512x32xf32, #tpu.memory_space<vmem>>
        %dma_start3A_210 = arith.constant 0 : i32
        %dma_start3A_211 = tpu.memref_slice %dma_start3A_209[%mul3A_205, %dma_start3A_210] : memref<512x32xf32, #tpu.memory_space<vmem>> -> memref<32x32xf32, #tpu.memory_space<vmem>>
        %dma_start3A_212 = arith.constant 0 : i32
        %dma_start3A_213 = tpu.memref_slice %arg2[%mul3A_101, %dma_start3A_212] : memref<393216x32xf32, #tpu.memory_space<hbm>> -> memref<32x32xf32, #tpu.memory_space<hbm>>
        %dma_start3A_214 = arith.constant 0 : i32
        %dma_start3A_215 = arith.constant 0 : i32
        %dma_start3A_216 = tpu.memref_slice %arg7[%dma_start3A, %dma_start3A_214, %dma_start3A_215] : memref<4x512x32xf32, #tpu.memory_space<vmem>> -> memref<1x512x32xf32, #tpu.memory_space<vmem>>
        %dma_start3A_217 = tpu.memref_squeeze %dma_start3A_216 : memref<1x512x32xf32, #tpu.memory_space<vmem>> -> memref<512x32xf32, #tpu.memory_space<vmem>>
        %dma_start3A_218 = arith.constant 0 : i32
        %dma_start3A_219 = tpu.memref_slice %dma_start3A_217[%mul3A_205, %dma_start3A_218] : memref<512x32xf32, #tpu.memory_space<vmem>> -> memref<32x32xf32, #tpu.memory_space<vmem>>
        %dma_start3A_220 = arith.constant 0 : i32
        %dma_start3A_221 = tpu.memref_slice %arg2[%mul3A_101, %dma_start3A_220] : memref<393216x32xf32, #tpu.memory_space<hbm>> -> memref<32x32xf32, #tpu.memory_space<hbm>>
        tpu.enqueue_dma source(%dma_start3A_221 : memref<32x32xf32, #tpu.memory_space<hbm>>) target(%dma_start3A_219 : memref<32x32xf32, #tpu.memory_space<vmem>>) target_semaphore(%arg9 : memref<!tpu.dma_semaphore, #tpu.memory_space<semaphore_mem>>)
      } else {
      }
      %ne3A_199 = arith.constant 0 : i32
      %ne3A_200 = arith.cmpi ne, %reduce_max3A_195, %ne3A_199 : i32
      %convert_element_type3A_201 = arith.extui %ne3A_200 : i1 to i32
      %cond3A_202 = arith.constant 0 : i32
      %cond3A_203 = arith.cmpi ne, %convert_element_type3A_201, %cond3A_202 : i32
      scf.if %cond3A_203 {
        %add3A_204 = vector.broadcast %mul3A_101 : i32 to vector<16xi32>
        %add3A_205 = arith.addi %add3A_204, %iota3A : vector<16xi32>
        %add3A_206 = arith.addi %add3A_205, %gather3A : vector<16xi32>
        %mul3A_207 = arith.constant 32 : i32
        %mul3A_208 = arith.muli %scan3A_95, %mul3A_207 : i32
        %swap3A = arith.constant 1 : i32
        %swap3A_209 = arith.constant 0 : i32
        %swap3A_210 = tpu.memref_slice %arg6[%swap3A, %swap3A_209] : memref<4x512xi32, #tpu.memory_space<vmem>> -> memref<1x512xi32, #tpu.memory_space<vmem>>
        %swap3A_211 = tpu.memref_squeeze %swap3A_210 : memref<1x512xi32, #tpu.memory_space<vmem>> -> memref<512xi32, #tpu.memory_space<vmem>>
        %swap3A_212 = arith.index_cast %mul3A_208 : i32 to index
        %swap3A_213 = tpu.vector_load %swap3A_211[%swap3A_212] {strides = array<i32>} : memref<512xi32, #tpu.memory_space<vmem>>, vector<16xi32>,
        tpu.vector_store %swap3A_211[%swap3A_212], %add3A_206 {strides = array<i32>} : memref<512xi32, #tpu.memory_space<vmem>>, vector<16xi32>,
        %add3A_214 = arith.constant 16 : i32
        %add3A_215 = arith.addi %mul3A_101, %add3A_214 : i32
        %add3A_216 = vector.broadcast %add3A_215 : i32 to vector<16xi32>
        %add3A_217 = arith.addi %add3A_216, %iota3A : vector<16xi32>
        %add3A_218 = arith.addi %add3A_217, %gather3A : vector<16xi32>
        %mul3A_219 = arith.constant 32 : i32
        %mul3A_220 = arith.muli %scan3A_95, %mul3A_219 : i32
        %add3A_221 = arith.constant 16 : i32
        %add3A_222 = arith.addi %mul3A_220, %add3A_221 : i32
        %swap3A_223 = arith.constant 1 : i32
        %swap3A_224 = arith.constant 0 : i32
        %swap3A_225 = tpu.memref_slice %arg6[%swap3A_223, %swap3A_224] : memref<4x512xi32, #tpu.memory_space<vmem>> -> memref<1x512xi32, #tpu.memory_space<vmem>>
        %swap3A_226 = tpu.memref_squeeze %swap3A_225 : memref<1x512xi32, #tpu.memory_space<vmem>> -> memref<512xi32, #tpu.memory_space<vmem>>
        %swap3A_227 = arith.index_cast %add3A_222 : i32 to index
        %swap3A_228 = tpu.vector_load %swap3A_226[%swap3A_227] {strides = array<i32>} : memref<512xi32, #tpu.memory_space<vmem>>, vector<16xi32>,
        tpu.vector_store %swap3A_226[%swap3A_227], %add3A_218 {strides = array<i32>} : memref<512xi32, #tpu.memory_space<vmem>>, vector<16xi32>,
        %mul3A_229 = arith.constant 32 : i32
        %mul3A_230 = arith.muli %scan3A_95, %mul3A_229 : i32
        %mul3A_231 = arith.constant 32 : i32
        %mul3A_232 = arith.muli %scan3A_95, %mul3A_231 : i32
        %dma_start3A = arith.constant 1 : i32
        %dma_start3A_233 = arith.constant 1 : i32
        %dma_start3A_234 = arith.constant 0 : i32
        %dma_start3A_235 = arith.constant 0 : i32
        %dma_start3A_236 = tpu.memref_slice %arg7[%dma_start3A_233, %dma_start3A_234, %dma_start3A_235] : memref<4x512x32xf32, #tpu.memory_space<vmem>> -> memref<1x512x32xf32, #tpu.memory_space<vmem>>
        %dma_start3A_237 = tpu.memref_squeeze %dma_start3A_236 : memref<1x512x32xf32, #tpu.memory_space<vmem>> -> memref<512x32xf32, #tpu.memory_space<vmem>>
        %dma_start3A_238 = arith.constant 0 : i32
        %dma_start3A_239 = tpu.memref_slice %dma_start3A_237[%mul3A_232, %dma_start3A_238] : memref<512x32xf32, #tpu.memory_space<vmem>> -> memref<32x32xf32, #tpu.memory_space<vmem>>
        %dma_start3A_240 = arith.constant 0 : i32
        %dma_start3A_241 = tpu.memref_slice %arg6[%dma_start3A, %dma_start3A_240] : memref<4x512xi32, #tpu.memory_space<vmem>> -> memref<1x512xi32, #tpu.memory_space<vmem>>
        %dma_start3A_242 = tpu.memref_squeeze %dma_start3A_241 : memref<1x512xi32, #tpu.memory_space<vmem>> -> memref<512xi32, #tpu.memory_space<vmem>>
        %dma_start3A_243 = tpu.memref_slice %dma_start3A_242[%mul3A_230] : memref<512xi32, #tpu.memory_space<vmem>> -> memref<32xi32, #tpu.memory_space<vmem>>
        %dma_start3A_244 = arith.constant 0 : i32
        %dma_start3A_245 = arith.constant 0 : i32
        %dma_start3A_246 = tpu.memref_slice %arg2[%dma_start3A_244, %dma_start3A_245] : memref<393216x32xf32, #tpu.memory_space<hbm>> -> memref<393216x32xf32, #tpu.memory_space<hbm>>
        tpu.enqueue_indirect_dma source(%dma_start3A_246 : memref<393216x32xf32, #tpu.memory_space<hbm>>) target(%dma_start3A_239 : memref<32x32xf32, #tpu.memory_space<vmem>>) offsets(%dma_start3A_243 : memref<32xi32, #tpu.memory_space<vmem>>) semaphore(%arg9 : memref<!tpu.dma_semaphore, #tpu.memory_space<semaphore_mem>>)
      } else {
      }
    }
    %scan3A_30 = arith.constant 16 : i32
    %scan3A_31 = arith.constant 0 : i32
    %scan3A_32 = arith.constant 6 : i32
    %scan3A_33 = arith.addi %scan3A_31, %scan3A_32 : i32
    %scan3A_34 = arith.constant 1 : i32
    scf.for %scan3A_95 = %scan3A_31 to %scan3A_33 step %scan3A_34  : i32 {
      %mul3A_96 = arith.constant 4 : i32
      %mul3A_97 = arith.muli %scan3A_95, %mul3A_96 : i32
      %add3A_98 = arith.constant 0 : i32
      %add3A_99 = arith.addi %mul3A_97, %add3A_98 : i32
      %add3A_100 = arith.constant 2 : i32
      %add3A_101 = arith.addi %add3A_99, %add3A_100 : i32
      %lt3A_102 = arith.constant 24 : i32
      %lt3A_103 = arith.cmpi slt, %add3A_101, %lt3A_102 : i32
      %ge3A = arith.constant 4 : i32
      %ge3A_104 = arith.cmpi sge, %add3A_101, %ge3A : i32
      %and3A_105 = arith.andi %lt3A_103, %ge3A_104 : i1
      %convert_element_type3A = arith.extui %and3A_105 : i1 to i32
      %cond3A = arith.constant 0 : i32
      %cond3A_106 = arith.cmpi ne, %convert_element_type3A, %cond3A : i32
      scf.if %cond3A_106 {
        %dma_wait3A_292 = arith.constant 2 : i32
        %dma_wait3A_293 = arith.constant 0 : i32
        %dma_wait3A_294 = arith.constant 0 : i32
        %dma_wait3A_295 = tpu.memref_slice %arg7[%dma_wait3A_292, %dma_wait3A_293, %dma_wait3A_294] : memref<4x512x32xf32, #tpu.memory_space<vmem>> -> memref<1x512x32xf32, #tpu.memory_space<vmem>>
        %dma_wait3A_296 = tpu.memref_squeeze %dma_wait3A_295 : memref<1x512x32xf32, #tpu.memory_space<vmem>> -> memref<512x32xf32, #tpu.memory_space<vmem>>
        %dma_wait3A_297 = arith.constant 0 : i32
        %dma_wait3A_298 = arith.constant 0 : i32
        %dma_wait3A_299 = tpu.memref_slice %arg2[%dma_wait3A_297, %dma_wait3A_298] : memref<393216x32xf32, #tpu.memory_space<hbm>> -> memref<512x32xf32, #tpu.memory_space<hbm>>
        %dma_wait3A_300 = arith.constant 0 : i32
        %dma_wait3A_301 = arith.constant 0 : i32
        %dma_wait3A_302 = tpu.memref_slice %arg2[%dma_wait3A_300, %dma_wait3A_301] : memref<393216x32xf32, #tpu.memory_space<hbm>> -> memref<512x32xf32, #tpu.memory_space<hbm>>
        %dma_wait3A_303 = arith.constant 0 : i32
        %dma_wait3A_304 = arith.constant 0 : i32
        %dma_wait3A_305 = tpu.memref_slice %arg7[%dma_wait3A_292, %dma_wait3A_303, %dma_wait3A_304] : memref<4x512x32xf32, #tpu.memory_space<vmem>> -> memref<1x512x32xf32, #tpu.memory_space<vmem>>
        %dma_wait3A_306 = tpu.memref_squeeze %dma_wait3A_305 : memref<1x512x32xf32, #tpu.memory_space<vmem>> -> memref<512x32xf32, #tpu.memory_space<vmem>>
        tpu.wait_dma2 semaphore(%arg14 : memref<!tpu.dma_semaphore, #tpu.memory_space<semaphore_mem>>) src(%dma_wait3A_306 : memref<512x32xf32, #tpu.memory_space<vmem>>) dst(%dma_wait3A_302 : memref<512x32xf32, #tpu.memory_space<hbm>>)
      } else {
      }
      %lt3A_107 = arith.constant 24 : i32
      %lt3A_108 = arith.cmpi slt, %add3A_101, %lt3A_107 : i32
      %convert_element_type3A_109 = arith.extui %lt3A_108 : i1 to i32
      %cond3A_110 = arith.constant 0 : i32
      %cond3A_111 = arith.cmpi ne, %convert_element_type3A_109, %cond3A_110 : i32
      scf.if %cond3A_111 {
        %scan3A_292 = arith.constant 0 : i32
        %scan3A_293 = arith.constant 16 : i32
        %scan3A_294 = arith.addi %scan3A_292, %scan3A_293 : i32
        %scan3A_295 = arith.constant 1 : i32
        scf.for %scan3A_297 = %scan3A_292 to %scan3A_294 step %scan3A_295  : i32 {
          %mul3A_298 = arith.constant 16 : i32
          %mul3A_299 = arith.muli %add3A_101, %mul3A_298 : i32
          %add3A_300 = arith.addi %mul3A_4, %mul3A_299 : i32
          %add3A_301 = arith.addi %add3A_300, %scan3A_297 : i32
          %mul3A_302 = arith.constant 32 : i32
          %mul3A_303 = arith.muli %add3A_301, %mul3A_302 : i32
          %jit3A_304 = arith.constant 768 : i32
          %div3A = arith.divsi %add3A_301, %jit3A_304 : i32
          %sign3A = arith.constant 0 : i32
          %sign3A_305 = arith.cmpi sgt, %add3A_301, %sign3A : i32
          %sign3A_306 = arith.extui %sign3A_305 : i1 to i32
          %sign3A_307 = arith.constant 0 : i32
          %sign3A_308 = arith.cmpi slt, %add3A_301, %sign3A_307 : i32
          %sign3A_309 = arith.extui %sign3A_308 : i1 to i32
          %sign3A_310 = arith.subi %sign3A_306, %sign3A_309 : i32
          %sign3A_311 = arith.constant 0 : i32
          %sign3A_312 = arith.cmpi sgt, %jit3A_304, %sign3A_311 : i32
          %sign3A_313 = arith.extui %sign3A_312 : i1 to i32
          %sign3A_314 = arith.constant 0 : i32
          %sign3A_315 = arith.cmpi slt, %jit3A_304, %sign3A_314 : i32
          %sign3A_316 = arith.extui %sign3A_315 : i1 to i32
          %sign3A_317 = arith.subi %sign3A_313, %sign3A_316 : i32
          %ne3A_318 = arith.cmpi ne, %sign3A_310, %sign3A_317 : i32
          %rem3A_319 = arith.remsi %add3A_301, %jit3A_304 : i32
          %ne3A_320 = arith.constant 0 : i32
          %ne3A_321 = arith.cmpi ne, %rem3A_319, %ne3A_320 : i32
          %and3A_322 = arith.andi %ne3A_318, %ne3A_321 : i1
          %sub3A = arith.constant 1 : i32
          %sub3A_323 = arith.subi %div3A, %sub3A : i32
          %select_n3A_324 = arith.select %and3A_322, %sub3A_323, %div3A : i32
          %mul3A_325 = arith.constant 16 : i32
          %mul3A_326 = arith.muli %select_n3A_324, %mul3A_325 : i32
          %jit3A_327 = arith.constant 256 : i32
          %eq3A_328 = arith.constant 0 : i32
          %eq3A_329 = arith.cmpi eq, %jit3A_327, %eq3A_328 : i32
          %jit3A_330 = arith.constant 1 : i32
          %select_n3A_331 = arith.select %eq3A_329, %jit3A_330, %jit3A_327 : i32
          %rem3A_332 = arith.remsi %add3A_301, %select_n3A_331 : i32
          %ne3A_333 = arith.constant 0 : i32
          %ne3A_334 = arith.cmpi ne, %rem3A_332, %ne3A_333 : i32
          %lt3A_335 = arith.constant 0 : i32
          %lt3A_336 = arith.cmpi slt, %rem3A_332, %lt3A_335 : i32
          %lt3A_337 = arith.constant 0 : i32
          %lt3A_338 = arith.cmpi slt, %select_n3A_331, %lt3A_337 : i32
          %ne3A_339 = arith.xori %lt3A_336, %lt3A_338 : i1
          %and3A_340 = arith.andi %ne3A_339, %ne3A_334 : i1
          %add3A_341 = arith.addi %rem3A_332, %select_n3A_331 : i32
          %select_n3A_342 = arith.select %and3A_340, %add3A_341, %rem3A_332 : i32
          %jit3A_343 = arith.constant 16 : i32
          %div3A_344 = arith.divsi %select_n3A_342, %jit3A_343 : i32
          %sign3A_345 = arith.constant 0 : i32
          %sign3A_346 = arith.cmpi sgt, %select_n3A_342, %sign3A_345 : i32
          %sign3A_347 = arith.extui %sign3A_346 : i1 to i32
          %sign3A_348 = arith.constant 0 : i32
          %sign3A_349 = arith.cmpi slt, %select_n3A_342, %sign3A_348 : i32
          %sign3A_350 = arith.extui %sign3A_349 : i1 to i32
          %sign3A_351 = arith.subi %sign3A_347, %sign3A_350 : i32
          %sign3A_352 = arith.constant 0 : i32
          %sign3A_353 = arith.cmpi sgt, %jit3A_343, %sign3A_352 : i32
          %sign3A_354 = arith.extui %sign3A_353 : i1 to i32
          %sign3A_355 = arith.constant 0 : i32
          %sign3A_356 = arith.cmpi slt, %jit3A_343, %sign3A_355 : i32
          %sign3A_357 = arith.extui %sign3A_356 : i1 to i32
          %sign3A_358 = arith.subi %sign3A_354, %sign3A_357 : i32
          %ne3A_359 = arith.cmpi ne, %sign3A_351, %sign3A_358 : i32
          %rem3A_360 = arith.remsi %select_n3A_342, %jit3A_343 : i32
          %ne3A_361 = arith.constant 0 : i32
          %ne3A_362 = arith.cmpi ne, %rem3A_360, %ne3A_361 : i32
          %and3A_363 = arith.andi %ne3A_359, %ne3A_362 : i1
          %sub3A_364 = arith.constant 1 : i32
          %sub3A_365 = arith.subi %div3A_344, %sub3A_364 : i32
          %select_n3A_366 = arith.select %and3A_363, %sub3A_365, %div3A_344 : i32
          %add3A_367 = arith.addi %mul3A_326, %select_n3A_366 : i32
          %mul3A_368 = arith.constant 16 : i32
          %mul3A_369 = arith.muli %add3A_367, %mul3A_368 : i32
          %jit3A_370 = arith.constant 4 : i32
          %eq3A_371 = arith.constant 0 : i32
          %eq3A_372 = arith.cmpi eq, %jit3A_370, %eq3A_371 : i32
          %jit3A_373 = arith.constant 1 : i32
          %select_n3A_374 = arith.select %eq3A_372, %jit3A_373, %jit3A_370 : i32
          %rem3A_375 = arith.remsi %add3A_301, %select_n3A_374 : i32
          %ne3A_376 = arith.constant 0 : i32
          %ne3A_377 = arith.cmpi ne, %rem3A_375, %ne3A_376 : i32
          %lt3A_378 = arith.constant 0 : i32
          %lt3A_379 = arith.cmpi slt, %rem3A_375, %lt3A_378 : i32
          %lt3A_380 = arith.constant 0 : i32
          %lt3A_381 = arith.cmpi slt, %select_n3A_374, %lt3A_380 : i32
          %ne3A_382 = arith.xori %lt3A_379, %lt3A_381 : i1
          %and3A_383 = arith.andi %ne3A_382, %ne3A_377 : i1
          %add3A_384 = arith.addi %rem3A_375, %select_n3A_374 : i32
          %select_n3A_385 = arith.select %and3A_383, %add3A_384, %rem3A_375 : i32
          %mul3A_386 = arith.constant 4 : i32
          %mul3A_387 = arith.muli %mul3A_386, %select_n3A_385 : i32
          %add3A_388 = arith.addi %mul3A_369, %mul3A_387 : i32
          %add3A_389 = vector.broadcast %add3A_388 : i32 to vector<16xi32>
          %add3A_390 = arith.addi %add3A_389, %select_n3A_19 : vector<16xi32>
          %gather3A = tpu.vector_load_idx %arg5[%add3A_390] : memref<4096xi32, #tpu.memory_space<vmem>>[vector<16xi32>], vector<16xi32>,
          %abs3A = math.absi %gather3A : vector<16xi32>
          %reduce_max3A = arith.constant true
          %reduce_max3A_391 = vector.broadcast %reduce_max3A : i1 to vector<16xi1>
          %reduce_max3A_392 = arith.constant -2147483648 : i32
          %reduce_max3A_393 = vector.broadcast %reduce_max3A_392 : i32 to vector<16xi32>
          %reduce_max3A_394 = arith.xori %abs3A, %reduce_max3A_393 : vector<16xi32>
          %reduce_max3A_395 = tpu.scan <max>, %reduce_max3A_394 masked %reduce_max3A_391 : vector<16xi32>, vector<16xi1> -> vector<16xi32>
          %reduce_max3A_396 = arith.xori %reduce_max3A_395, %reduce_max3A_393 : vector<16xi32>
          %reduce_max3A_397 = vector.extract %reduce_max3A_396[15] : i32 from vector<16xi32>
          %eq3A_398 = arith.constant 0 : i32
          %eq3A_399 = arith.cmpi eq, %reduce_max3A_397, %eq3A_398 : i32
          %convert_element_type3A_400 = arith.extui %eq3A_399 : i1 to i32
          %cond3A_401 = arith.constant 0 : i32
          %cond3A_402 = arith.cmpi ne, %convert_element_type3A_400, %cond3A_401 : i32
          scf.if %cond3A_402 {
            %mul3A_408 = arith.constant 32 : i32
            %mul3A_409 = arith.muli %scan3A_297, %mul3A_408 : i32
            %dma_start3A_410 = arith.constant 2 : i32
            %dma_start3A_411 = arith.constant 0 : i32
            %dma_start3A_412 = arith.constant 0 : i32
            %dma_start3A_413 = tpu.memref_slice %arg7[%dma_start3A_410, %dma_start3A_411, %dma_start3A_412] : memref<4x512x32xf32, #tpu.memory_space<vmem>> -> memref<1x512x32xf32, #tpu.memory_space<vmem>>
            %dma_start3A_414 = tpu.memref_squeeze %dma_start3A_413 : memref<1x512x32xf32, #tpu.memory_space<vmem>> -> memref<512x32xf32, #tpu.memory_space<vmem>>
            %dma_start3A_415 = arith.constant 0 : i32
            %dma_start3A_416 = tpu.memref_slice %dma_start3A_414[%mul3A_409, %dma_start3A_415] : memref<512x32xf32, #tpu.memory_space<vmem>> -> memref<32x32xf32, #tpu.memory_space<vmem>>
            %dma_start3A_417 = arith.constant 0 : i32
            %dma_start3A_418 = tpu.memref_slice %arg2[%mul3A_303, %dma_start3A_417] : memref<393216x32xf32, #tpu.memory_space<hbm>> -> memref<32x32xf32, #tpu.memory_space<hbm>>
            %dma_start3A_419 = arith.constant 0 : i32
            %dma_start3A_420 = arith.constant 0 : i32
            %dma_start3A_421 = tpu.memref_slice %arg7[%dma_start3A_410, %dma_start3A_419, %dma_start3A_420] : memref<4x512x32xf32, #tpu.memory_space<vmem>> -> memref<1x512x32xf32, #tpu.memory_space<vmem>>
            %dma_start3A_422 = tpu.memref_squeeze %dma_start3A_421 : memref<1x512x32xf32, #tpu.memory_space<vmem>> -> memref<512x32xf32, #tpu.memory_space<vmem>>
            %dma_start3A_423 = arith.constant 0 : i32
            %dma_start3A_424 = tpu.memref_slice %dma_start3A_422[%mul3A_409, %dma_start3A_423] : memref<512x32xf32, #tpu.memory_space<vmem>> -> memref<32x32xf32, #tpu.memory_space<vmem>>
            %dma_start3A_425 = arith.constant 0 : i32
            %dma_start3A_426 = tpu.memref_slice %arg2[%mul3A_303, %dma_start3A_425] : memref<393216x32xf32, #tpu.memory_space<hbm>> -> memref<32x32xf32, #tpu.memory_space<hbm>>
            tpu.enqueue_dma source(%dma_start3A_426 : memref<32x32xf32, #tpu.memory_space<hbm>>) target(%dma_start3A_424 : memref<32x32xf32, #tpu.memory_space<vmem>>) target_semaphore(%arg10 : memref<!tpu.dma_semaphore, #tpu.memory_space<semaphore_mem>>)
          } else {
          }
          %ne3A_403 = arith.constant 0 : i32
          %ne3A_404 = arith.cmpi ne, %reduce_max3A_397, %ne3A_403 : i32
          %convert_element_type3A_405 = arith.extui %ne3A_404 : i1 to i32
          %cond3A_406 = arith.constant 0 : i32
          %cond3A_407 = arith.cmpi ne, %convert_element_type3A_405, %cond3A_406 : i32
          scf.if %cond3A_407 {
            %add3A_408 = vector.broadcast %mul3A_303 : i32 to vector<16xi32>
            %add3A_409 = arith.addi %add3A_408, %iota3A : vector<16xi32>
            %add3A_410 = arith.addi %add3A_409, %gather3A : vector<16xi32>
            %mul3A_411 = arith.constant 32 : i32
            %mul3A_412 = arith.muli %scan3A_297, %mul3A_411 : i32
            %swap3A = arith.constant 2 : i32
            %swap3A_413 = arith.constant 0 : i32
            %swap3A_414 = tpu.memref_slice %arg6[%swap3A, %swap3A_413] : memref<4x512xi32, #tpu.memory_space<vmem>> -> memref<1x512xi32, #tpu.memory_space<vmem>>
            %swap3A_415 = tpu.memref_squeeze %swap3A_414 : memref<1x512xi32, #tpu.memory_space<vmem>> -> memref<512xi32, #tpu.memory_space<vmem>>
            %swap3A_416 = arith.index_cast %mul3A_412 : i32 to index
            %swap3A_417 = tpu.vector_load %swap3A_415[%swap3A_416] {strides = array<i32>} : memref<512xi32, #tpu.memory_space<vmem>>, vector<16xi32>,
            tpu.vector_store %swap3A_415[%swap3A_416], %add3A_410 {strides = array<i32>} : memref<512xi32, #tpu.memory_space<vmem>>, vector<16xi32>,
            %add3A_418 = arith.constant 16 : i32
            %add3A_419 = arith.addi %mul3A_303, %add3A_418 : i32
            %add3A_420 = vector.broadcast %add3A_419 : i32 to vector<16xi32>
            %add3A_421 = arith.addi %add3A_420, %iota3A : vector<16xi32>
            %add3A_422 = arith.addi %add3A_421, %gather3A : vector<16xi32>
            %mul3A_423 = arith.constant 32 : i32
            %mul3A_424 = arith.muli %scan3A_297, %mul3A_423 : i32
            %add3A_425 = arith.constant 16 : i32
            %add3A_426 = arith.addi %mul3A_424, %add3A_425 : i32
            %swap3A_427 = arith.constant 2 : i32
            %swap3A_428 = arith.constant 0 : i32
            %swap3A_429 = tpu.memref_slice %arg6[%swap3A_427, %swap3A_428] : memref<4x512xi32, #tpu.memory_space<vmem>> -> memref<1x512xi32, #tpu.memory_space<vmem>>
            %swap3A_430 = tpu.memref_squeeze %swap3A_429 : memref<1x512xi32, #tpu.memory_space<vmem>> -> memref<512xi32, #tpu.memory_space<vmem>>
            %swap3A_431 = arith.index_cast %add3A_426 : i32 to index
            %swap3A_432 = tpu.vector_load %swap3A_430[%swap3A_431] {strides = array<i32>} : memref<512xi32, #tpu.memory_space<vmem>>, vector<16xi32>,
            tpu.vector_store %swap3A_430[%swap3A_431], %add3A_422 {strides = array<i32>} : memref<512xi32, #tpu.memory_space<vmem>>, vector<16xi32>,
            %mul3A_433 = arith.constant 32 : i32
            %mul3A_434 = arith.muli %scan3A_297, %mul3A_433 : i32
            %mul3A_435 = arith.constant 32 : i32
            %mul3A_436 = arith.muli %scan3A_297, %mul3A_435 : i32
            %dma_start3A_437 = arith.constant 2 : i32
            %dma_start3A_438 = arith.constant 2 : i32
            %dma_start3A_439 = arith.constant 0 : i32
            %dma_start3A_440 = arith.constant 0 : i32
            %dma_start3A_441 = tpu.memref_slice %arg7[%dma_start3A_438, %dma_start3A_439, %dma_start3A_440] : memref<4x512x32xf32, #tpu.memory_space<vmem>> -> memref<1x512x32xf32, #tpu.memory_space<vmem>>
            %dma_start3A_442 = tpu.memref_squeeze %dma_start3A_441 : memref<1x512x32xf32, #tpu.memory_space<vmem>> -> memref<512x32xf32, #tpu.memory_space<vmem>>
            %dma_start3A_443 = arith.constant 0 : i32
            %dma_start3A_444 = tpu.memref_slice %dma_start3A_442[%mul3A_436, %dma_start3A_443] : memref<512x32xf32, #tpu.memory_space<vmem>> -> memref<32x32xf32, #tpu.memory_space<vmem>>
            %dma_start3A_445 = arith.constant 0 : i32
            %dma_start3A_446 = tpu.memref_slice %arg6[%dma_start3A_437, %dma_start3A_445] : memref<4x512xi32, #tpu.memory_space<vmem>> -> memref<1x512xi32, #tpu.memory_space<vmem>>
            %dma_start3A_447 = tpu.memref_squeeze %dma_start3A_446 : memref<1x512xi32, #tpu.memory_space<vmem>> -> memref<512xi32, #tpu.memory_space<vmem>>
            %dma_start3A_448 = tpu.memref_slice %dma_start3A_447[%mul3A_434] : memref<512xi32, #tpu.memory_space<vmem>> -> memref<32xi32, #tpu.memory_space<vmem>>
            %dma_start3A_449 = arith.constant 0 : i32
            %dma_start3A_450 = arith.constant 0 : i32
            %dma_start3A_451 = tpu.memref_slice %arg2[%dma_start3A_449, %dma_start3A_450] : memref<393216x32xf32, #tpu.memory_space<hbm>> -> memref<393216x32xf32, #tpu.memory_space<hbm>>
            tpu.enqueue_indirect_dma source(%dma_start3A_451 : memref<393216x32xf32, #tpu.memory_space<hbm>>) target(%dma_start3A_444 : memref<32x32xf32, #tpu.memory_space<vmem>>) offsets(%dma_start3A_448 : memref<32xi32, #tpu.memory_space<vmem>>) semaphore(%arg10 : memref<!tpu.dma_semaphore, #tpu.memory_space<semaphore_mem>>)
          } else {
          }
        }
        %scan3A_296 = arith.constant 16 : i32
      } else {
      }
      %dma_wait3A_112 = arith.constant 0 : i32
      %dma_wait3A_113 = arith.constant 0 : i32
      %dma_wait3A_114 = arith.constant 0 : i32
      %dma_wait3A_115 = tpu.memref_slice %arg7[%dma_wait3A_112, %dma_wait3A_113, %dma_wait3A_114] : memref<4x512x32xf32, #tpu.memory_space<vmem>> -> memref<1x512x32xf32, #tpu.memory_space<vmem>>
      %dma_wait3A_116 = tpu.memref_squeeze %dma_wait3A_115 : memref<1x512x32xf32, #tpu.memory_space<vmem>> -> memref<512x32xf32, #tpu.memory_space<vmem>>
      %dma_wait3A_117 = arith.constant 0 : i32
      %dma_wait3A_118 = arith.constant 0 : i32
      %dma_wait3A_119 = tpu.memref_slice %arg2[%dma_wait3A_117, %dma_wait3A_118] : memref<393216x32xf32, #tpu.memory_space<hbm>> -> memref<512x32xf32, #tpu.memory_space<hbm>>
      %dma_wait3A_120 = arith.constant 0 : i32
      %dma_wait3A_121 = arith.constant 0 : i32
      %dma_wait3A_122 = tpu.memref_slice %arg7[%dma_wait3A_112, %dma_wait3A_120, %dma_wait3A_121] : memref<4x512x32xf32, #tpu.memory_space<vmem>> -> memref<1x512x32xf32, #tpu.memory_space<vmem>>
      %dma_wait3A_123 = tpu.memref_squeeze %dma_wait3A_122 : memref<1x512x32xf32, #tpu.memory_space<vmem>> -> memref<512x32xf32, #tpu.memory_space<vmem>>
      %dma_wait3A_124 = arith.constant 0 : i32
      %dma_wait3A_125 = arith.constant 0 : i32
      %dma_wait3A_126 = tpu.memref_slice %arg2[%dma_wait3A_124, %dma_wait3A_125] : memref<393216x32xf32, #tpu.memory_space<hbm>> -> memref<512x32xf32, #tpu.memory_space<hbm>>
      tpu.wait_dma2 semaphore(%arg8 : memref<!tpu.dma_semaphore, #tpu.memory_space<semaphore_mem>>) src(%dma_wait3A_126 : memref<512x32xf32, #tpu.memory_space<hbm>>) dst(%dma_wait3A_123 : memref<512x32xf32, #tpu.memory_space<vmem>>)
      %mul3A_127 = arith.constant 512 : i32
      %mul3A_128 = arith.muli %add3A_99, %mul3A_127 : i32
      %add3A_129 = arith.addi %mul3A_2, %mul3A_128 : i32
      %dma_start3A = arith.constant 0 : i32
      %dma_start3A_130 = arith.constant 0 : i32
      %dma_start3A_131 = arith.constant 0 : i32
      %dma_start3A_132 = tpu.memref_slice %arg7[%dma_start3A, %dma_start3A_130, %dma_start3A_131] : memref<4x512x32xf32, #tpu.memory_space<vmem>> -> memref<1x512x32xf32, #tpu.memory_space<vmem>>
      %dma_start3A_133 = tpu.memref_squeeze %dma_start3A_132 : memref<1x512x32xf32, #tpu.memory_space<vmem>> -> memref<512x32xf32, #tpu.memory_space<vmem>>
      %dma_start3A_134 = arith.constant 0 : i32
      %dma_start3A_135 = tpu.memref_slice %arg4[%add3A_129, %dma_start3A_134] : memref<393216x32xf32, #tpu.memory_space<hbm>> -> memref<512x32xf32, #tpu.memory_space<hbm>>
      %dma_start3A_136 = arith.constant 0 : i32
      %dma_start3A_137 = tpu.memref_slice %arg4[%add3A_129, %dma_start3A_136] : memref<393216x32xf32, #tpu.memory_space<hbm>> -> memref<512x32xf32, #tpu.memory_space<hbm>>
      %dma_start3A_138 = arith.constant 0 : i32
      %dma_start3A_139 = arith.constant 0 : i32
      %dma_start3A_140 = tpu.memref_slice %arg7[%dma_start3A, %dma_start3A_138, %dma_start3A_139] : memref<4x512x32xf32, #tpu.memory_space<vmem>> -> memref<1x512x32xf32, #tpu.memory_space<vmem>>
      %dma_start3A_141 = tpu.memref_squeeze %dma_start3A_140 : memref<1x512x32xf32, #tpu.memory_space<vmem>> -> memref<512x32xf32, #tpu.memory_space<vmem>>
      tpu.enqueue_dma source(%dma_start3A_141 : memref<512x32xf32, #tpu.memory_space<vmem>>) target(%dma_start3A_137 : memref<512x32xf32, #tpu.memory_space<hbm>>) target_semaphore(%arg12 : memref<!tpu.dma_semaphore, #tpu.memory_space<semaphore_mem>>)
      %mul3A_142 = arith.constant 4 : i32
      %mul3A_143 = arith.muli %scan3A_95, %mul3A_142 : i32
      %add3A_144 = arith.constant 1 : i32
      %add3A_145 = arith.addi %mul3A_143, %add3A_144 : i32
      %add3A_146 = arith.constant 2 : i32
      %add3A_147 = arith.addi %add3A_145, %add3A_146 : i32
      %lt3A_148 = arith.constant 24 : i32
      %lt3A_149 = arith.cmpi slt, %add3A_147, %lt3A_148 : i32
      %ge3A_150 = arith.constant 4 : i32
      %ge3A_151 = arith.cmpi sge, %add3A_147, %ge3A_150 : i32
      %and3A_152 = arith.andi %lt3A_149, %ge3A_151 : i1
      %convert_element_type3A_153 = arith.extui %and3A_152 : i1 to i32
      %cond3A_154 = arith.constant 0 : i32
      %cond3A_155 = arith.cmpi ne, %convert_element_type3A_153, %cond3A_154 : i32
      scf.if %cond3A_155 {
        %dma_wait3A_292 = arith.constant 3 : i32
        %dma_wait3A_293 = arith.constant 0 : i32
        %dma_wait3A_294 = arith.constant 0 : i32
        %dma_wait3A_295 = tpu.memref_slice %arg7[%dma_wait3A_292, %dma_wait3A_293, %dma_wait3A_294] : memref<4x512x32xf32, #tpu.memory_space<vmem>> -> memref<1x512x32xf32, #tpu.memory_space<vmem>>
        %dma_wait3A_296 = tpu.memref_squeeze %dma_wait3A_295 : memref<1x512x32xf32, #tpu.memory_space<vmem>> -> memref<512x32xf32, #tpu.memory_space<vmem>>
        %dma_wait3A_297 = arith.constant 0 : i32
        %dma_wait3A_298 = arith.constant 0 : i32
        %dma_wait3A_299 = tpu.memref_slice %arg2[%dma_wait3A_297, %dma_wait3A_298] : memref<393216x32xf32, #tpu.memory_space<hbm>> -> memref<512x32xf32, #tpu.memory_space<hbm>>
        %dma_wait3A_300 = arith.constant 0 : i32
        %dma_wait3A_301 = arith.constant 0 : i32
        %dma_wait3A_302 = tpu.memref_slice %arg2[%dma_wait3A_300, %dma_wait3A_301] : memref<393216x32xf32, #tpu.memory_space<hbm>> -> memref<512x32xf32, #tpu.memory_space<hbm>>
        %dma_wait3A_303 = arith.constant 0 : i32
        %dma_wait3A_304 = arith.constant 0 : i32
        %dma_wait3A_305 = tpu.memref_slice %arg7[%dma_wait3A_292, %dma_wait3A_303, %dma_wait3A_304] : memref<4x512x32xf32, #tpu.memory_space<vmem>> -> memref<1x512x32xf32, #tpu.memory_space<vmem>>
        %dma_wait3A_306 = tpu.memref_squeeze %dma_wait3A_305 : memref<1x512x32xf32, #tpu.memory_space<vmem>> -> memref<512x32xf32, #tpu.memory_space<vmem>>
        tpu.wait_dma2 semaphore(%arg15 : memref<!tpu.dma_semaphore, #tpu.memory_space<semaphore_mem>>) src(%dma_wait3A_306 : memref<512x32xf32, #tpu.memory_space<vmem>>) dst(%dma_wait3A_302 : memref<512x32xf32, #tpu.memory_space<hbm>>)
      } else {
      }
      %lt3A_156 = arith.constant 24 : i32
      %lt3A_157 = arith.cmpi slt, %add3A_147, %lt3A_156 : i32
      %convert_element_type3A_158 = arith.extui %lt3A_157 : i1 to i32
      %cond3A_159 = arith.constant 0 : i32
      %cond3A_160 = arith.cmpi ne, %convert_element_type3A_158, %cond3A_159 : i32
      scf.if %cond3A_160 {
        %scan3A_292 = arith.constant 0 : i32
        %scan3A_293 = arith.constant 16 : i32
        %scan3A_294 = arith.addi %scan3A_292, %scan3A_293 : i32
        %scan3A_295 = arith.constant 1 : i32
        scf.for %scan3A_297 = %scan3A_292 to %scan3A_294 step %scan3A_295  : i32 {
          %mul3A_298 = arith.constant 16 : i32
          %mul3A_299 = arith.muli %add3A_147, %mul3A_298 : i32
          %add3A_300 = arith.addi %mul3A_4, %mul3A_299 : i32
          %add3A_301 = arith.addi %add3A_300, %scan3A_297 : i32
          %mul3A_302 = arith.constant 32 : i32
          %mul3A_303 = arith.muli %add3A_301, %mul3A_302 : i32
          %jit3A_304 = arith.constant 768 : i32
          %div3A = arith.divsi %add3A_301, %jit3A_304 : i32
          %sign3A = arith.constant 0 : i32
          %sign3A_305 = arith.cmpi sgt, %add3A_301, %sign3A : i32
          %sign3A_306 = arith.extui %sign3A_305 : i1 to i32
          %sign3A_307 = arith.constant 0 : i32
          %sign3A_308 = arith.cmpi slt, %add3A_301, %sign3A_307 : i32
          %sign3A_309 = arith.extui %sign3A_308 : i1 to i32
          %sign3A_310 = arith.subi %sign3A_306, %sign3A_309 : i32
          %sign3A_311 = arith.constant 0 : i32
          %sign3A_312 = arith.cmpi sgt, %jit3A_304, %sign3A_311 : i32
          %sign3A_313 = arith.extui %sign3A_312 : i1 to i32
          %sign3A_314 = arith.constant 0 : i32
          %sign3A_315 = arith.cmpi slt, %jit3A_304, %sign3A_314 : i32
          %sign3A_316 = arith.extui %sign3A_315 : i1 to i32
          %sign3A_317 = arith.subi %sign3A_313, %sign3A_316 : i32
          %ne3A_318 = arith.cmpi ne, %sign3A_310, %sign3A_317 : i32
          %rem3A_319 = arith.remsi %add3A_301, %jit3A_304 : i32
          %ne3A_320 = arith.constant 0 : i32
          %ne3A_321 = arith.cmpi ne, %rem3A_319, %ne3A_320 : i32
          %and3A_322 = arith.andi %ne3A_318, %ne3A_321 : i1
          %sub3A = arith.constant 1 : i32
          %sub3A_323 = arith.subi %div3A, %sub3A : i32
          %select_n3A_324 = arith.select %and3A_322, %sub3A_323, %div3A : i32
          %mul3A_325 = arith.constant 16 : i32
          %mul3A_326 = arith.muli %select_n3A_324, %mul3A_325 : i32
          %jit3A_327 = arith.constant 256 : i32
          %eq3A_328 = arith.constant 0 : i32
          %eq3A_329 = arith.cmpi eq, %jit3A_327, %eq3A_328 : i32
          %jit3A_330 = arith.constant 1 : i32
          %select_n3A_331 = arith.select %eq3A_329, %jit3A_330, %jit3A_327 : i32
          %rem3A_332 = arith.remsi %add3A_301, %select_n3A_331 : i32
          %ne3A_333 = arith.constant 0 : i32
          %ne3A_334 = arith.cmpi ne, %rem3A_332, %ne3A_333 : i32
          %lt3A_335 = arith.constant 0 : i32
          %lt3A_336 = arith.cmpi slt, %rem3A_332, %lt3A_335 : i32
          %lt3A_337 = arith.constant 0 : i32
          %lt3A_338 = arith.cmpi slt, %select_n3A_331, %lt3A_337 : i32
          %ne3A_339 = arith.xori %lt3A_336, %lt3A_338 : i1
          %and3A_340 = arith.andi %ne3A_339, %ne3A_334 : i1
          %add3A_341 = arith.addi %rem3A_332, %select_n3A_331 : i32
          %select_n3A_342 = arith.select %and3A_340, %add3A_341, %rem3A_332 : i32
          %jit3A_343 = arith.constant 16 : i32
          %div3A_344 = arith.divsi %select_n3A_342, %jit3A_343 : i32
          %sign3A_345 = arith.constant 0 : i32
          %sign3A_346 = arith.cmpi sgt, %select_n3A_342, %sign3A_345 : i32
          %sign3A_347 = arith.extui %sign3A_346 : i1 to i32
          %sign3A_348 = arith.constant 0 : i32
          %sign3A_349 = arith.cmpi slt, %select_n3A_342, %sign3A_348 : i32
          %sign3A_350 = arith.extui %sign3A_349 : i1 to i32
          %sign3A_351 = arith.subi %sign3A_347, %sign3A_350 : i32
          %sign3A_352 = arith.constant 0 : i32
          %sign3A_353 = arith.cmpi sgt, %jit3A_343, %sign3A_352 : i32
          %sign3A_354 = arith.extui %sign3A_353 : i1 to i32
          %sign3A_355 = arith.constant 0 : i32
          %sign3A_356 = arith.cmpi slt, %jit3A_343, %sign3A_355 : i32
          %sign3A_357 = arith.extui %sign3A_356 : i1 to i32
          %sign3A_358 = arith.subi %sign3A_354, %sign3A_357 : i32
          %ne3A_359 = arith.cmpi ne, %sign3A_351, %sign3A_358 : i32
          %rem3A_360 = arith.remsi %select_n3A_342, %jit3A_343 : i32
          %ne3A_361 = arith.constant 0 : i32
          %ne3A_362 = arith.cmpi ne, %rem3A_360, %ne3A_361 : i32
          %and3A_363 = arith.andi %ne3A_359, %ne3A_362 : i1
          %sub3A_364 = arith.constant 1 : i32
          %sub3A_365 = arith.subi %div3A_344, %sub3A_364 : i32
          %select_n3A_366 = arith.select %and3A_363, %sub3A_365, %div3A_344 : i32
          %add3A_367 = arith.addi %mul3A_326, %select_n3A_366 : i32
          %mul3A_368 = arith.constant 16 : i32
          %mul3A_369 = arith.muli %add3A_367, %mul3A_368 : i32
          %jit3A_370 = arith.constant 4 : i32
          %eq3A_371 = arith.constant 0 : i32
          %eq3A_372 = arith.cmpi eq, %jit3A_370, %eq3A_371 : i32
          %jit3A_373 = arith.constant 1 : i32
          %select_n3A_374 = arith.select %eq3A_372, %jit3A_373, %jit3A_370 : i32
          %rem3A_375 = arith.remsi %add3A_301, %select_n3A_374 : i32
          %ne3A_376 = arith.constant 0 : i32
          %ne3A_377 = arith.cmpi ne, %rem3A_375, %ne3A_376 : i32
          %lt3A_378 = arith.constant 0 : i32
          %lt3A_379 = arith.cmpi slt, %rem3A_375, %lt3A_378 : i32
          %lt3A_380 = arith.constant 0 : i32
          %lt3A_381 = arith.cmpi slt, %select_n3A_374, %lt3A_380 : i32
          %ne3A_382 = arith.xori %lt3A_379, %lt3A_381 : i1
          %and3A_383 = arith.andi %ne3A_382, %ne3A_377 : i1
          %add3A_384 = arith.addi %rem3A_375, %select_n3A_374 : i32
          %select_n3A_385 = arith.select %and3A_383, %add3A_384, %rem3A_375 : i32
          %mul3A_386 = arith.constant 4 : i32
          %mul3A_387 = arith.muli %mul3A_386, %select_n3A_385 : i32
          %add3A_388 = arith.addi %mul3A_369, %mul3A_387 : i32
          %add3A_389 = vector.broadcast %add3A_388 : i32 to vector<16xi32>
          %add3A_390 = arith.addi %add3A_389, %select_n3A_19 : vector<16xi32>
          %gather3A = tpu.vector_load_idx %arg5[%add3A_390] : memref<4096xi32, #tpu.memory_space<vmem>>[vector<16xi32>], vector<16xi32>,
          %abs3A = math.absi %gather3A : vector<16xi32>
          %reduce_max3A = arith.constant true
          %reduce_max3A_391 = vector.broadcast %reduce_max3A : i1 to vector<16xi1>
          %reduce_max3A_392 = arith.constant -2147483648 : i32
          %reduce_max3A_393 = vector.broadcast %reduce_max3A_392 : i32 to vector<16xi32>
          %reduce_max3A_394 = arith.xori %abs3A, %reduce_max3A_393 : vector<16xi32>
          %reduce_max3A_395 = tpu.scan <max>, %reduce_max3A_394 masked %reduce_max3A_391 : vector<16xi32>, vector<16xi1> -> vector<16xi32>
          %reduce_max3A_396 = arith.xori %reduce_max3A_395, %reduce_max3A_393 : vector<16xi32>
          %reduce_max3A_397 = vector.extract %reduce_max3A_396[15] : i32 from vector<16xi32>
          %eq3A_398 = arith.constant 0 : i32
          %eq3A_399 = arith.cmpi eq, %reduce_max3A_397, %eq3A_398 : i32
          %convert_element_type3A_400 = arith.extui %eq3A_399 : i1 to i32
          %cond3A_401 = arith.constant 0 : i32
          %cond3A_402 = arith.cmpi ne, %convert_element_type3A_400, %cond3A_401 : i32
          scf.if %cond3A_402 {
            %mul3A_408 = arith.constant 32 : i32
            %mul3A_409 = arith.muli %scan3A_297, %mul3A_408 : i32
            %dma_start3A_410 = arith.constant 3 : i32
            %dma_start3A_411 = arith.constant 0 : i32
            %dma_start3A_412 = arith.constant 0 : i32
            %dma_start3A_413 = tpu.memref_slice %arg7[%dma_start3A_410, %dma_start3A_411, %dma_start3A_412] : memref<4x512x32xf32, #tpu.memory_space<vmem>> -> memref<1x512x32xf32, #tpu.memory_space<vmem>>
            %dma_start3A_414 = tpu.memref_squeeze %dma_start3A_413 : memref<1x512x32xf32, #tpu.memory_space<vmem>> -> memref<512x32xf32, #tpu.memory_space<vmem>>
            %dma_start3A_415 = arith.constant 0 : i32
            %dma_start3A_416 = tpu.memref_slice %dma_start3A_414[%mul3A_409, %dma_start3A_415] : memref<512x32xf32, #tpu.memory_space<vmem>> -> memref<32x32xf32, #tpu.memory_space<vmem>>
            %dma_start3A_417 = arith.constant 0 : i32
            %dma_start3A_418 = tpu.memref_slice %arg2[%mul3A_303, %dma_start3A_417] : memref<393216x32xf32, #tpu.memory_space<hbm>> -> memref<32x32xf32, #tpu.memory_space<hbm>>
            %dma_start3A_419 = arith.constant 0 : i32
            %dma_start3A_420 = arith.constant 0 : i32
            %dma_start3A_421 = tpu.memref_slice %arg7[%dma_start3A_410, %dma_start3A_419, %dma_start3A_420] : memref<4x512x32xf32, #tpu.memory_space<vmem>> -> memref<1x512x32xf32, #tpu.memory_space<vmem>>
            %dma_start3A_422 = tpu.memref_squeeze %dma_start3A_421 : memref<1x512x32xf32, #tpu.memory_space<vmem>> -> memref<512x32xf32, #tpu.memory_space<vmem>>
            %dma_start3A_423 = arith.constant 0 : i32
            %dma_start3A_424 = tpu.memref_slice %dma_start3A_422[%mul3A_409, %dma_start3A_423] : memref<512x32xf32, #tpu.memory_space<vmem>> -> memref<32x32xf32, #tpu.memory_space<vmem>>
            %dma_start3A_425 = arith.constant 0 : i32
            %dma_start3A_426 = tpu.memref_slice %arg2[%mul3A_303, %dma_start3A_425] : memref<393216x32xf32, #tpu.memory_space<hbm>> -> memref<32x32xf32, #tpu.memory_space<hbm>>
            tpu.enqueue_dma source(%dma_start3A_426 : memref<32x32xf32, #tpu.memory_space<hbm>>) target(%dma_start3A_424 : memref<32x32xf32, #tpu.memory_space<vmem>>) target_semaphore(%arg11 : memref<!tpu.dma_semaphore, #tpu.memory_space<semaphore_mem>>)
          } else {
          }
          %ne3A_403 = arith.constant 0 : i32
          %ne3A_404 = arith.cmpi ne, %reduce_max3A_397, %ne3A_403 : i32
          %convert_element_type3A_405 = arith.extui %ne3A_404 : i1 to i32
          %cond3A_406 = arith.constant 0 : i32
          %cond3A_407 = arith.cmpi ne, %convert_element_type3A_405, %cond3A_406 : i32
          scf.if %cond3A_407 {
            %add3A_408 = vector.broadcast %mul3A_303 : i32 to vector<16xi32>
            %add3A_409 = arith.addi %add3A_408, %iota3A : vector<16xi32>
            %add3A_410 = arith.addi %add3A_409, %gather3A : vector<16xi32>
            %mul3A_411 = arith.constant 32 : i32
            %mul3A_412 = arith.muli %scan3A_297, %mul3A_411 : i32
            %swap3A = arith.constant 3 : i32
            %swap3A_413 = arith.constant 0 : i32
            %swap3A_414 = tpu.memref_slice %arg6[%swap3A, %swap3A_413] : memref<4x512xi32, #tpu.memory_space<vmem>> -> memref<1x512xi32, #tpu.memory_space<vmem>>
            %swap3A_415 = tpu.memref_squeeze %swap3A_414 : memref<1x512xi32, #tpu.memory_space<vmem>> -> memref<512xi32, #tpu.memory_space<vmem>>
            %swap3A_416 = arith.index_cast %mul3A_412 : i32 to index
            %swap3A_417 = tpu.vector_load %swap3A_415[%swap3A_416] {strides = array<i32>} : memref<512xi32, #tpu.memory_space<vmem>>, vector<16xi32>,
            tpu.vector_store %swap3A_415[%swap3A_416], %add3A_410 {strides = array<i32>} : memref<512xi32, #tpu.memory_space<vmem>>, vector<16xi32>,
            %add3A_418 = arith.constant 16 : i32
            %add3A_419 = arith.addi %mul3A_303, %add3A_418 : i32
            %add3A_420 = vector.broadcast %add3A_419 : i32 to vector<16xi32>
            %add3A_421 = arith.addi %add3A_420, %iota3A : vector<16xi32>
            %add3A_422 = arith.addi %add3A_421, %gather3A : vector<16xi32>
            %mul3A_423 = arith.constant 32 : i32
            %mul3A_424 = arith.muli %scan3A_297, %mul3A_423 : i32
            %add3A_425 = arith.constant 16 : i32
            %add3A_426 = arith.addi %mul3A_424, %add3A_425 : i32
            %swap3A_427 = arith.constant 3 : i32
            %swap3A_428 = arith.constant 0 : i32
            %swap3A_429 = tpu.memref_slice %arg6[%swap3A_427, %swap3A_428] : memref<4x512xi32, #tpu.memory_space<vmem>> -> memref<1x512xi32, #tpu.memory_space<vmem>>
            %swap3A_430 = tpu.memref_squeeze %swap3A_429 : memref<1x512xi32, #tpu.memory_space<vmem>> -> memref<512xi32, #tpu.memory_space<vmem>>
            %swap3A_431 = arith.index_cast %add3A_426 : i32 to index
            %swap3A_432 = tpu.vector_load %swap3A_430[%swap3A_431] {strides = array<i32>} : memref<512xi32, #tpu.memory_space<vmem>>, vector<16xi32>,
            tpu.vector_store %swap3A_430[%swap3A_431], %add3A_422 {strides = array<i32>} : memref<512xi32, #tpu.memory_space<vmem>>, vector<16xi32>,
            %mul3A_433 = arith.constant 32 : i32
            %mul3A_434 = arith.muli %scan3A_297, %mul3A_433 : i32
            %mul3A_435 = arith.constant 32 : i32
            %mul3A_436 = arith.muli %scan3A_297, %mul3A_435 : i32
            %dma_start3A_437 = arith.constant 3 : i32
            %dma_start3A_438 = arith.constant 3 : i32
            %dma_start3A_439 = arith.constant 0 : i32
            %dma_start3A_440 = arith.constant 0 : i32
            %dma_start3A_441 = tpu.memref_slice %arg7[%dma_start3A_438, %dma_start3A_439, %dma_start3A_440] : memref<4x512x32xf32, #tpu.memory_space<vmem>> -> memref<1x512x32xf32, #tpu.memory_space<vmem>>
            %dma_start3A_442 = tpu.memref_squeeze %dma_start3A_441 : memref<1x512x32xf32, #tpu.memory_space<vmem>> -> memref<512x32xf32, #tpu.memory_space<vmem>>
            %dma_start3A_443 = arith.constant 0 : i32
            %dma_start3A_444 = tpu.memref_slice %dma_start3A_442[%mul3A_436, %dma_start3A_443] : memref<512x32xf32, #tpu.memory_space<vmem>> -> memref<32x32xf32, #tpu.memory_space<vmem>>
            %dma_start3A_445 = arith.constant 0 : i32
            %dma_start3A_446 = tpu.memref_slice %arg6[%dma_start3A_437, %dma_start3A_445] : memref<4x512xi32, #tpu.memory_space<vmem>> -> memref<1x512xi32, #tpu.memory_space<vmem>>
            %dma_start3A_447 = tpu.memref_squeeze %dma_start3A_446 : memref<1x512xi32, #tpu.memory_space<vmem>> -> memref<512xi32, #tpu.memory_space<vmem>>
            %dma_start3A_448 = tpu.memref_slice %dma_start3A_447[%mul3A_434] : memref<512xi32, #tpu.memory_space<vmem>> -> memref<32xi32, #tpu.memory_space<vmem>>
            %dma_start3A_449 = arith.constant 0 : i32
            %dma_start3A_450 = arith.constant 0 : i32
            %dma_start3A_451 = tpu.memref_slice %arg2[%dma_start3A_449, %dma_start3A_450] : memref<393216x32xf32, #tpu.memory_space<hbm>> -> memref<393216x32xf32, #tpu.memory_space<hbm>>
            tpu.enqueue_indirect_dma source(%dma_start3A_451 : memref<393216x32xf32, #tpu.memory_space<hbm>>) target(%dma_start3A_444 : memref<32x32xf32, #tpu.memory_space<vmem>>) offsets(%dma_start3A_448 : memref<32xi32, #tpu.memory_space<vmem>>) semaphore(%arg11 : memref<!tpu.dma_semaphore, #tpu.memory_space<semaphore_mem>>)
          } else {
          }
        }
        %scan3A_296 = arith.constant 16 : i32
      } else {
      }
      %dma_wait3A_161 = arith.constant 1 : i32
      %dma_wait3A_162 = arith.constant 0 : i32
      %dma_wait3A_163 = arith.constant 0 : i32
      %dma_wait3A_164 = tpu.memref_slice %arg7[%dma_wait3A_161, %dma_wait3A_162, %dma_wait3A_163] : memref<4x512x32xf32, #tpu.memory_space<vmem>> -> memref<1x512x32xf32, #tpu.memory_space<vmem>>
      %dma_wait3A_165 = tpu.memref_squeeze %dma_wait3A_164 : memref<1x512x32xf32, #tpu.memory_space<vmem>> -> memref<512x32xf32, #tpu.memory_space<vmem>>
      %dma_wait3A_166 = arith.constant 0 : i32
      %dma_wait3A_167 = arith.constant 0 : i32
      %dma_wait3A_168 = tpu.memref_slice %arg2[%dma_wait3A_166, %dma_wait3A_167] : memref<393216x32xf32, #tpu.memory_space<hbm>> -> memref<512x32xf32, #tpu.memory_space<hbm>>
      %dma_wait3A_169 = arith.constant 0 : i32
      %dma_wait3A_170 = arith.constant 0 : i32
      %dma_wait3A_171 = tpu.memref_slice %arg7[%dma_wait3A_161, %dma_wait3A_169, %dma_wait3A_170] : memref<4x512x32xf32, #tpu.memory_space<vmem>> -> memref<1x512x32xf32, #tpu.memory_space<vmem>>
      %dma_wait3A_172 = tpu.memref_squeeze %dma_wait3A_171 : memref<1x512x32xf32, #tpu.memory_space<vmem>> -> memref<512x32xf32, #tpu.memory_space<vmem>>
      %dma_wait3A_173 = arith.constant 0 : i32
      %dma_wait3A_174 = arith.constant 0 : i32
      %dma_wait3A_175 = tpu.memref_slice %arg2[%dma_wait3A_173, %dma_wait3A_174] : memref<393216x32xf32, #tpu.memory_space<hbm>> -> memref<512x32xf32, #tpu.memory_space<hbm>>
      tpu.wait_dma2 semaphore(%arg9 : memref<!tpu.dma_semaphore, #tpu.memory_space<semaphore_mem>>) src(%dma_wait3A_175 : memref<512x32xf32, #tpu.memory_space<hbm>>) dst(%dma_wait3A_172 : memref<512x32xf32, #tpu.memory_space<vmem>>)
      %mul3A_176 = arith.constant 512 : i32
      %mul3A_177 = arith.muli %add3A_145, %mul3A_176 : i32
      %add3A_178 = arith.addi %mul3A_2, %mul3A_177 : i32
      %dma_start3A_179 = arith.constant 1 : i32
      %dma_start3A_180 = arith.constant 0 : i32
      %dma_start3A_181 = arith.constant 0 : i32
      %dma_start3A_182 = tpu.memref_slice %arg7[%dma_start3A_179, %dma_start3A_180, %dma_start3A_181] : memref<4x512x32xf32, #tpu.memory_space<vmem>> -> memref<1x512x32xf32, #tpu.memory_space<vmem>>
      %dma_start3A_183 = tpu.memref_squeeze %dma_start3A_182 : memref<1x512x32xf32, #tpu.memory_space<vmem>> -> memref<512x32xf32, #tpu.memory_space<vmem>>
      %dma_start3A_184 = arith.constant 0 : i32
      %dma_start3A_185 = tpu.memref_slice %arg4[%add3A_178, %dma_start3A_184] : memref<393216x32xf32, #tpu.memory_space<hbm>> -> memref<512x32xf32, #tpu.memory_space<hbm>>
      %dma_start3A_186 = arith.constant 0 : i32
      %dma_start3A_187 = tpu.memref_slice %arg4[%add3A_178, %dma_start3A_186] : memref<393216x32xf32, #tpu.memory_space<hbm>> -> memref<512x32xf32, #tpu.memory_space<hbm>>
      %dma_start3A_188 = arith.constant 0 : i32
      %dma_start3A_189 = arith.constant 0 : i32
      %dma_start3A_190 = tpu.memref_slice %arg7[%dma_start3A_179, %dma_start3A_188, %dma_start3A_189] : memref<4x512x32xf32, #tpu.memory_space<vmem>> -> memref<1x512x32xf32, #tpu.memory_space<vmem>>
      %dma_start3A_191 = tpu.memref_squeeze %dma_start3A_190 : memref<1x512x32xf32, #tpu.memory_space<vmem>> -> memref<512x32xf32, #tpu.memory_space<vmem>>
      tpu.enqueue_dma source(%dma_start3A_191 : memref<512x32xf32, #tpu.memory_space<vmem>>) target(%dma_start3A_187 : memref<512x32xf32, #tpu.memory_space<hbm>>) target_semaphore(%arg13 : memref<!tpu.dma_semaphore, #tpu.memory_space<semaphore_mem>>)
      %mul3A_192 = arith.constant 4 : i32
      %mul3A_193 = arith.muli %scan3A_95, %mul3A_192 : i32
      %add3A_194 = arith.constant 2 : i32
      %add3A_195 = arith.addi %mul3A_193, %add3A_194 : i32
      %add3A_196 = arith.constant 2 : i32
      %add3A_197 = arith.addi %add3A_195, %add3A_196 : i32
      %lt3A_198 = arith.constant 24 : i32
      %lt3A_199 = arith.cmpi slt, %add3A_197, %lt3A_198 : i32
      %ge3A_200 = arith.constant 4 : i32
      %ge3A_201 = arith.cmpi sge, %add3A_197, %ge3A_200 : i32
      %and3A_202 = arith.andi %lt3A_199, %ge3A_201 : i1
      %convert_element_type3A_203 = arith.extui %and3A_202 : i1 to i32
      %cond3A_204 = arith.constant 0 : i32
      %cond3A_205 = arith.cmpi ne, %convert_element_type3A_203, %cond3A_204 : i32
      scf.if %cond3A_205 {
        %dma_wait3A_292 = arith.constant 0 : i32
        %dma_wait3A_293 = arith.constant 0 : i32
        %dma_wait3A_294 = arith.constant 0 : i32
        %dma_wait3A_295 = tpu.memref_slice %arg7[%dma_wait3A_292, %dma_wait3A_293, %dma_wait3A_294] : memref<4x512x32xf32, #tpu.memory_space<vmem>> -> memref<1x512x32xf32, #tpu.memory_space<vmem>>
        %dma_wait3A_296 = tpu.memref_squeeze %dma_wait3A_295 : memref<1x512x32xf32, #tpu.memory_space<vmem>> -> memref<512x32xf32, #tpu.memory_space<vmem>>
        %dma_wait3A_297 = arith.constant 0 : i32
        %dma_wait3A_298 = arith.constant 0 : i32
        %dma_wait3A_299 = tpu.memref_slice %arg2[%dma_wait3A_297, %dma_wait3A_298] : memref<393216x32xf32, #tpu.memory_space<hbm>> -> memref<512x32xf32, #tpu.memory_space<hbm>>
        %dma_wait3A_300 = arith.constant 0 : i32
        %dma_wait3A_301 = arith.constant 0 : i32
        %dma_wait3A_302 = tpu.memref_slice %arg2[%dma_wait3A_300, %dma_wait3A_301] : memref<393216x32xf32, #tpu.memory_space<hbm>> -> memref<512x32xf32, #tpu.memory_space<hbm>>
        %dma_wait3A_303 = arith.constant 0 : i32
        %dma_wait3A_304 = arith.constant 0 : i32
        %dma_wait3A_305 = tpu.memref_slice %arg7[%dma_wait3A_292, %dma_wait3A_303, %dma_wait3A_304] : memref<4x512x32xf32, #tpu.memory_space<vmem>> -> memref<1x512x32xf32, #tpu.memory_space<vmem>>
        %dma_wait3A_306 = tpu.memref_squeeze %dma_wait3A_305 : memref<1x512x32xf32, #tpu.memory_space<vmem>> -> memref<512x32xf32, #tpu.memory_space<vmem>>
        tpu.wait_dma2 semaphore(%arg12 : memref<!tpu.dma_semaphore, #tpu.memory_space<semaphore_mem>>) src(%dma_wait3A_306 : memref<512x32xf32, #tpu.memory_space<vmem>>) dst(%dma_wait3A_302 : memref<512x32xf32, #tpu.memory_space<hbm>>)
      } else {
      }
      %lt3A_206 = arith.constant 24 : i32
      %lt3A_207 = arith.cmpi slt, %add3A_197, %lt3A_206 : i32
      %convert_element_type3A_208 = arith.extui %lt3A_207 : i1 to i32
      %cond3A_209 = arith.constant 0 : i32
      %cond3A_210 = arith.cmpi ne, %convert_element_type3A_208, %cond3A_209 : i32
      scf.if %cond3A_210 {
        %scan3A_292 = arith.constant 0 : i32
        %scan3A_293 = arith.constant 16 : i32
        %scan3A_294 = arith.addi %scan3A_292, %scan3A_293 : i32
        %scan3A_295 = arith.constant 1 : i32
        scf.for %scan3A_297 = %scan3A_292 to %scan3A_294 step %scan3A_295  : i32 {
          %mul3A_298 = arith.constant 16 : i32
          %mul3A_299 = arith.muli %add3A_197, %mul3A_298 : i32
          %add3A_300 = arith.addi %mul3A_4, %mul3A_299 : i32
          %add3A_301 = arith.addi %add3A_300, %scan3A_297 : i32
          %mul3A_302 = arith.constant 32 : i32
          %mul3A_303 = arith.muli %add3A_301, %mul3A_302 : i32
          %jit3A_304 = arith.constant 768 : i32
          %div3A = arith.divsi %add3A_301, %jit3A_304 : i32
          %sign3A = arith.constant 0 : i32
          %sign3A_305 = arith.cmpi sgt, %add3A_301, %sign3A : i32
          %sign3A_306 = arith.extui %sign3A_305 : i1 to i32
          %sign3A_307 = arith.constant 0 : i32
          %sign3A_308 = arith.cmpi slt, %add3A_301, %sign3A_307 : i32
          %sign3A_309 = arith.extui %sign3A_308 : i1 to i32
          %sign3A_310 = arith.subi %sign3A_306, %sign3A_309 : i32
          %sign3A_311 = arith.constant 0 : i32
          %sign3A_312 = arith.cmpi sgt, %jit3A_304, %sign3A_311 : i32
          %sign3A_313 = arith.extui %sign3A_312 : i1 to i32
          %sign3A_314 = arith.constant 0 : i32
          %sign3A_315 = arith.cmpi slt, %jit3A_304, %sign3A_314 : i32
          %sign3A_316 = arith.extui %sign3A_315 : i1 to i32
          %sign3A_317 = arith.subi %sign3A_313, %sign3A_316 : i32
          %ne3A_318 = arith.cmpi ne, %sign3A_310, %sign3A_317 : i32
          %rem3A_319 = arith.remsi %add3A_301, %jit3A_304 : i32
          %ne3A_320 = arith.constant 0 : i32
          %ne3A_321 = arith.cmpi ne, %rem3A_319, %ne3A_320 : i32
          %and3A_322 = arith.andi %ne3A_318, %ne3A_321 : i1
          %sub3A = arith.constant 1 : i32
          %sub3A_323 = arith.subi %div3A, %sub3A : i32
          %select_n3A_324 = arith.select %and3A_322, %sub3A_323, %div3A : i32
          %mul3A_325 = arith.constant 16 : i32
          %mul3A_326 = arith.muli %select_n3A_324, %mul3A_325 : i32
          %jit3A_327 = arith.constant 256 : i32
          %eq3A_328 = arith.constant 0 : i32
          %eq3A_329 = arith.cmpi eq, %jit3A_327, %eq3A_328 : i32
          %jit3A_330 = arith.constant 1 : i32
          %select_n3A_331 = arith.select %eq3A_329, %jit3A_330, %jit3A_327 : i32
          %rem3A_332 = arith.remsi %add3A_301, %select_n3A_331 : i32
          %ne3A_333 = arith.constant 0 : i32
          %ne3A_334 = arith.cmpi ne, %rem3A_332, %ne3A_333 : i32
          %lt3A_335 = arith.constant 0 : i32
          %lt3A_336 = arith.cmpi slt, %rem3A_332, %lt3A_335 : i32
          %lt3A_337 = arith.constant 0 : i32
          %lt3A_338 = arith.cmpi slt, %select_n3A_331, %lt3A_337 : i32
          %ne3A_339 = arith.xori %lt3A_336, %lt3A_338 : i1
          %and3A_340 = arith.andi %ne3A_339, %ne3A_334 : i1
          %add3A_341 = arith.addi %rem3A_332, %select_n3A_331 : i32
          %select_n3A_342 = arith.select %and3A_340, %add3A_341, %rem3A_332 : i32
          %jit3A_343 = arith.constant 16 : i32
          %div3A_344 = arith.divsi %select_n3A_342, %jit3A_343 : i32
          %sign3A_345 = arith.constant 0 : i32
          %sign3A_346 = arith.cmpi sgt, %select_n3A_342, %sign3A_345 : i32
          %sign3A_347 = arith.extui %sign3A_346 : i1 to i32
          %sign3A_348 = arith.constant 0 : i32
          %sign3A_349 = arith.cmpi slt, %select_n3A_342, %sign3A_348 : i32
          %sign3A_350 = arith.extui %sign3A_349 : i1 to i32
          %sign3A_351 = arith.subi %sign3A_347, %sign3A_350 : i32
          %sign3A_352 = arith.constant 0 : i32
          %sign3A_353 = arith.cmpi sgt, %jit3A_343, %sign3A_352 : i32
          %sign3A_354 = arith.extui %sign3A_353 : i1 to i32
          %sign3A_355 = arith.constant 0 : i32
          %sign3A_356 = arith.cmpi slt, %jit3A_343, %sign3A_355 : i32
          %sign3A_357 = arith.extui %sign3A_356 : i1 to i32
          %sign3A_358 = arith.subi %sign3A_354, %sign3A_357 : i32
          %ne3A_359 = arith.cmpi ne, %sign3A_351, %sign3A_358 : i32
          %rem3A_360 = arith.remsi %select_n3A_342, %jit3A_343 : i32
          %ne3A_361 = arith.constant 0 : i32
          %ne3A_362 = arith.cmpi ne, %rem3A_360, %ne3A_361 : i32
          %and3A_363 = arith.andi %ne3A_359, %ne3A_362 : i1
          %sub3A_364 = arith.constant 1 : i32
          %sub3A_365 = arith.subi %div3A_344, %sub3A_364 : i32
          %select_n3A_366 = arith.select %and3A_363, %sub3A_365, %div3A_344 : i32
          %add3A_367 = arith.addi %mul3A_326, %select_n3A_366 : i32
          %mul3A_368 = arith.constant 16 : i32
          %mul3A_369 = arith.muli %add3A_367, %mul3A_368 : i32
          %jit3A_370 = arith.constant 4 : i32
          %eq3A_371 = arith.constant 0 : i32
          %eq3A_372 = arith.cmpi eq, %jit3A_370, %eq3A_371 : i32
          %jit3A_373 = arith.constant 1 : i32
          %select_n3A_374 = arith.select %eq3A_372, %jit3A_373, %jit3A_370 : i32
          %rem3A_375 = arith.remsi %add3A_301, %select_n3A_374 : i32
          %ne3A_376 = arith.constant 0 : i32
          %ne3A_377 = arith.cmpi ne, %rem3A_375, %ne3A_376 : i32
          %lt3A_378 = arith.constant 0 : i32
          %lt3A_379 = arith.cmpi slt, %rem3A_375, %lt3A_378 : i32
          %lt3A_380 = arith.constant 0 : i32
          %lt3A_381 = arith.cmpi slt, %select_n3A_374, %lt3A_380 : i32
          %ne3A_382 = arith.xori %lt3A_379, %lt3A_381 : i1
          %and3A_383 = arith.andi %ne3A_382, %ne3A_377 : i1
          %add3A_384 = arith.addi %rem3A_375, %select_n3A_374 : i32
          %select_n3A_385 = arith.select %and3A_383, %add3A_384, %rem3A_375 : i32
          %mul3A_386 = arith.constant 4 : i32
          %mul3A_387 = arith.muli %mul3A_386, %select_n3A_385 : i32
          %add3A_388 = arith.addi %mul3A_369, %mul3A_387 : i32
          %add3A_389 = vector.broadcast %add3A_388 : i32 to vector<16xi32>
          %add3A_390 = arith.addi %add3A_389, %select_n3A_19 : vector<16xi32>
          %gather3A = tpu.vector_load_idx %arg5[%add3A_390] : memref<4096xi32, #tpu.memory_space<vmem>>[vector<16xi32>], vector<16xi32>,
          %abs3A = math.absi %gather3A : vector<16xi32>
          %reduce_max3A = arith.constant true
          %reduce_max3A_391 = vector.broadcast %reduce_max3A : i1 to vector<16xi1>
          %reduce_max3A_392 = arith.constant -2147483648 : i32
          %reduce_max3A_393 = vector.broadcast %reduce_max3A_392 : i32 to vector<16xi32>
          %reduce_max3A_394 = arith.xori %abs3A, %reduce_max3A_393 : vector<16xi32>
          %reduce_max3A_395 = tpu.scan <max>, %reduce_max3A_394 masked %reduce_max3A_391 : vector<16xi32>, vector<16xi1> -> vector<16xi32>
          %reduce_max3A_396 = arith.xori %reduce_max3A_395, %reduce_max3A_393 : vector<16xi32>
          %reduce_max3A_397 = vector.extract %reduce_max3A_396[15] : i32 from vector<16xi32>
          %eq3A_398 = arith.constant 0 : i32
          %eq3A_399 = arith.cmpi eq, %reduce_max3A_397, %eq3A_398 : i32
          %convert_element_type3A_400 = arith.extui %eq3A_399 : i1 to i32
          %cond3A_401 = arith.constant 0 : i32
          %cond3A_402 = arith.cmpi ne, %convert_element_type3A_400, %cond3A_401 : i32
          scf.if %cond3A_402 {
            %mul3A_408 = arith.constant 32 : i32
            %mul3A_409 = arith.muli %scan3A_297, %mul3A_408 : i32
            %dma_start3A_410 = arith.constant 0 : i32
            %dma_start3A_411 = arith.constant 0 : i32
            %dma_start3A_412 = arith.constant 0 : i32
            %dma_start3A_413 = tpu.memref_slice %arg7[%dma_start3A_410, %dma_start3A_411, %dma_start3A_412] : memref<4x512x32xf32, #tpu.memory_space<vmem>> -> memref<1x512x32xf32, #tpu.memory_space<vmem>>
            %dma_start3A_414 = tpu.memref_squeeze %dma_start3A_413 : memref<1x512x32xf32, #tpu.memory_space<vmem>> -> memref<512x32xf32, #tpu.memory_space<vmem>>
            %dma_start3A_415 = arith.constant 0 : i32
            %dma_start3A_416 = tpu.memref_slice %dma_start3A_414[%mul3A_409, %dma_start3A_415] : memref<512x32xf32, #tpu.memory_space<vmem>> -> memref<32x32xf32, #tpu.memory_space<vmem>>
            %dma_start3A_417 = arith.constant 0 : i32
            %dma_start3A_418 = tpu.memref_slice %arg2[%mul3A_303, %dma_start3A_417] : memref<393216x32xf32, #tpu.memory_space<hbm>> -> memref<32x32xf32, #tpu.memory_space<hbm>>
            %dma_start3A_419 = arith.constant 0 : i32
            %dma_start3A_420 = arith.constant 0 : i32
            %dma_start3A_421 = tpu.memref_slice %arg7[%dma_start3A_410, %dma_start3A_419, %dma_start3A_420] : memref<4x512x32xf32, #tpu.memory_space<vmem>> -> memref<1x512x32xf32, #tpu.memory_space<vmem>>
            %dma_start3A_422 = tpu.memref_squeeze %dma_start3A_421 : memref<1x512x32xf32, #tpu.memory_space<vmem>> -> memref<512x32xf32, #tpu.memory_space<vmem>>
            %dma_start3A_423 = arith.constant 0 : i32
            %dma_start3A_424 = tpu.memref_slice %dma_start3A_422[%mul3A_409, %dma_start3A_423] : memref<512x32xf32, #tpu.memory_space<vmem>> -> memref<32x32xf32, #tpu.memory_space<vmem>>
            %dma_start3A_425 = arith.constant 0 : i32
            %dma_start3A_426 = tpu.memref_slice %arg2[%mul3A_303, %dma_start3A_425] : memref<393216x32xf32, #tpu.memory_space<hbm>> -> memref<32x32xf32, #tpu.memory_space<hbm>>
            tpu.enqueue_dma source(%dma_start3A_426 : memref<32x32xf32, #tpu.memory_space<hbm>>) target(%dma_start3A_424 : memref<32x32xf32, #tpu.memory_space<vmem>>) target_semaphore(%arg8 : memref<!tpu.dma_semaphore, #tpu.memory_space<semaphore_mem>>)
          } else {
          }
          %ne3A_403 = arith.constant 0 : i32
          %ne3A_404 = arith.cmpi ne, %reduce_max3A_397, %ne3A_403 : i32
          %convert_element_type3A_405 = arith.extui %ne3A_404 : i1 to i32
          %cond3A_406 = arith.constant 0 : i32
          %cond3A_407 = arith.cmpi ne, %convert_element_type3A_405, %cond3A_406 : i32
          scf.if %cond3A_407 {
            %add3A_408 = vector.broadcast %mul3A_303 : i32 to vector<16xi32>
            %add3A_409 = arith.addi %add3A_408, %iota3A : vector<16xi32>
            %add3A_410 = arith.addi %add3A_409, %gather3A : vector<16xi32>
            %mul3A_411 = arith.constant 32 : i32
            %mul3A_412 = arith.muli %scan3A_297, %mul3A_411 : i32
            %swap3A = arith.constant 0 : i32
            %swap3A_413 = arith.constant 0 : i32
            %swap3A_414 = tpu.memref_slice %arg6[%swap3A, %swap3A_413] : memref<4x512xi32, #tpu.memory_space<vmem>> -> memref<1x512xi32, #tpu.memory_space<vmem>>
            %swap3A_415 = tpu.memref_squeeze %swap3A_414 : memref<1x512xi32, #tpu.memory_space<vmem>> -> memref<512xi32, #tpu.memory_space<vmem>>
            %swap3A_416 = arith.index_cast %mul3A_412 : i32 to index
            %swap3A_417 = tpu.vector_load %swap3A_415[%swap3A_416] {strides = array<i32>} : memref<512xi32, #tpu.memory_space<vmem>>, vector<16xi32>,
            tpu.vector_store %swap3A_415[%swap3A_416], %add3A_410 {strides = array<i32>} : memref<512xi32, #tpu.memory_space<vmem>>, vector<16xi32>,
            %add3A_418 = arith.constant 16 : i32
            %add3A_419 = arith.addi %mul3A_303, %add3A_418 : i32
            %add3A_420 = vector.broadcast %add3A_419 : i32 to vector<16xi32>
            %add3A_421 = arith.addi %add3A_420, %iota3A : vector<16xi32>
            %add3A_422 = arith.addi %add3A_421, %gather3A : vector<16xi32>
            %mul3A_423 = arith.constant 32 : i32
            %mul3A_424 = arith.muli %scan3A_297, %mul3A_423 : i32
            %add3A_425 = arith.constant 16 : i32
            %add3A_426 = arith.addi %mul3A_424, %add3A_425 : i32
            %swap3A_427 = arith.constant 0 : i32
            %swap3A_428 = arith.constant 0 : i32
            %swap3A_429 = tpu.memref_slice %arg6[%swap3A_427, %swap3A_428] : memref<4x512xi32, #tpu.memory_space<vmem>> -> memref<1x512xi32, #tpu.memory_space<vmem>>
            %swap3A_430 = tpu.memref_squeeze %swap3A_429 : memref<1x512xi32, #tpu.memory_space<vmem>> -> memref<512xi32, #tpu.memory_space<vmem>>
            %swap3A_431 = arith.index_cast %add3A_426 : i32 to index
            %swap3A_432 = tpu.vector_load %swap3A_430[%swap3A_431] {strides = array<i32>} : memref<512xi32, #tpu.memory_space<vmem>>, vector<16xi32>,
            tpu.vector_store %swap3A_430[%swap3A_431], %add3A_422 {strides = array<i32>} : memref<512xi32, #tpu.memory_space<vmem>>, vector<16xi32>,
            %mul3A_433 = arith.constant 32 : i32
            %mul3A_434 = arith.muli %scan3A_297, %mul3A_433 : i32
            %mul3A_435 = arith.constant 32 : i32
            %mul3A_436 = arith.muli %scan3A_297, %mul3A_435 : i32
            %dma_start3A_437 = arith.constant 0 : i32
            %dma_start3A_438 = arith.constant 0 : i32
            %dma_start3A_439 = arith.constant 0 : i32
            %dma_start3A_440 = arith.constant 0 : i32
            %dma_start3A_441 = tpu.memref_slice %arg7[%dma_start3A_438, %dma_start3A_439, %dma_start3A_440] : memref<4x512x32xf32, #tpu.memory_space<vmem>> -> memref<1x512x32xf32, #tpu.memory_space<vmem>>
            %dma_start3A_442 = tpu.memref_squeeze %dma_start3A_441 : memref<1x512x32xf32, #tpu.memory_space<vmem>> -> memref<512x32xf32, #tpu.memory_space<vmem>>
            %dma_start3A_443 = arith.constant 0 : i32
            %dma_start3A_444 = tpu.memref_slice %dma_start3A_442[%mul3A_436, %dma_start3A_443] : memref<512x32xf32, #tpu.memory_space<vmem>> -> memref<32x32xf32, #tpu.memory_space<vmem>>
            %dma_start3A_445 = arith.constant 0 : i32
            %dma_start3A_446 = tpu.memref_slice %arg6[%dma_start3A_437, %dma_start3A_445] : memref<4x512xi32, #tpu.memory_space<vmem>> -> memref<1x512xi32, #tpu.memory_space<vmem>>
            %dma_start3A_447 = tpu.memref_squeeze %dma_start3A_446 : memref<1x512xi32, #tpu.memory_space<vmem>> -> memref<512xi32, #tpu.memory_space<vmem>>
            %dma_start3A_448 = tpu.memref_slice %dma_start3A_447[%mul3A_434] : memref<512xi32, #tpu.memory_space<vmem>> -> memref<32xi32, #tpu.memory_space<vmem>>
            %dma_start3A_449 = arith.constant 0 : i32
            %dma_start3A_450 = arith.constant 0 : i32
            %dma_start3A_451 = tpu.memref_slice %arg2[%dma_start3A_449, %dma_start3A_450] : memref<393216x32xf32, #tpu.memory_space<hbm>> -> memref<393216x32xf32, #tpu.memory_space<hbm>>
            tpu.enqueue_indirect_dma source(%dma_start3A_451 : memref<393216x32xf32, #tpu.memory_space<hbm>>) target(%dma_start3A_444 : memref<32x32xf32, #tpu.memory_space<vmem>>) offsets(%dma_start3A_448 : memref<32xi32, #tpu.memory_space<vmem>>) semaphore(%arg8 : memref<!tpu.dma_semaphore, #tpu.memory_space<semaphore_mem>>)
          } else {
          }
        }
        %scan3A_296 = arith.constant 16 : i32
      } else {
      }
      %dma_wait3A_211 = arith.constant 2 : i32
      %dma_wait3A_212 = arith.constant 0 : i32
      %dma_wait3A_213 = arith.constant 0 : i32
      %dma_wait3A_214 = tpu.memref_slice %arg7[%dma_wait3A_211, %dma_wait3A_212, %dma_wait3A_213] : memref<4x512x32xf32, #tpu.memory_space<vmem>> -> memref<1x512x32xf32, #tpu.memory_space<vmem>>
      %dma_wait3A_215 = tpu.memref_squeeze %dma_wait3A_214 : memref<1x512x32xf32, #tpu.memory_space<vmem>> -> memref<512x32xf32, #tpu.memory_space<vmem>>
      %dma_wait3A_216 = arith.constant 0 : i32
      %dma_wait3A_217 = arith.constant 0 : i32
      %dma_wait3A_218 = tpu.memref_slice %arg2[%dma_wait3A_216, %dma_wait3A_217] : memref<393216x32xf32, #tpu.memory_space<hbm>> -> memref<512x32xf32, #tpu.memory_space<hbm>>
      %dma_wait3A_219 = arith.constant 0 : i32
      %dma_wait3A_220 = arith.constant 0 : i32
      %dma_wait3A_221 = tpu.memref_slice %arg7[%dma_wait3A_211, %dma_wait3A_219, %dma_wait3A_220] : memref<4x512x32xf32, #tpu.memory_space<vmem>> -> memref<1x512x32xf32, #tpu.memory_space<vmem>>
      %dma_wait3A_222 = tpu.memref_squeeze %dma_wait3A_221 : memref<1x512x32xf32, #tpu.memory_space<vmem>> -> memref<512x32xf32, #tpu.memory_space<vmem>>
      %dma_wait3A_223 = arith.constant 0 : i32
      %dma_wait3A_224 = arith.constant 0 : i32
      %dma_wait3A_225 = tpu.memref_slice %arg2[%dma_wait3A_223, %dma_wait3A_224] : memref<393216x32xf32, #tpu.memory_space<hbm>> -> memref<512x32xf32, #tpu.memory_space<hbm>>
      tpu.wait_dma2 semaphore(%arg10 : memref<!tpu.dma_semaphore, #tpu.memory_space<semaphore_mem>>) src(%dma_wait3A_225 : memref<512x32xf32, #tpu.memory_space<hbm>>) dst(%dma_wait3A_222 : memref<512x32xf32, #tpu.memory_space<vmem>>)
      %mul3A_226 = arith.constant 512 : i32
      %mul3A_227 = arith.muli %add3A_195, %mul3A_226 : i32
      %add3A_228 = arith.addi %mul3A_2, %mul3A_227 : i32
      %dma_start3A_229 = arith.constant 2 : i32
      %dma_start3A_230 = arith.constant 0 : i32
      %dma_start3A_231 = arith.constant 0 : i32
      %dma_start3A_232 = tpu.memref_slice %arg7[%dma_start3A_229, %dma_start3A_230, %dma_start3A_231] : memref<4x512x32xf32, #tpu.memory_space<vmem>> -> memref<1x512x32xf32, #tpu.memory_space<vmem>>
      %dma_start3A_233 = tpu.memref_squeeze %dma_start3A_232 : memref<1x512x32xf32, #tpu.memory_space<vmem>> -> memref<512x32xf32, #tpu.memory_space<vmem>>
      %dma_start3A_234 = arith.constant 0 : i32
      %dma_start3A_235 = tpu.memref_slice %arg4[%add3A_228, %dma_start3A_234] : memref<393216x32xf32, #tpu.memory_space<hbm>> -> memref<512x32xf32, #tpu.memory_space<hbm>>
      %dma_start3A_236 = arith.constant 0 : i32
      %dma_start3A_237 = tpu.memref_slice %arg4[%add3A_228, %dma_start3A_236] : memref<393216x32xf32, #tpu.memory_space<hbm>> -> memref<512x32xf32, #tpu.memory_space<hbm>>
      %dma_start3A_238 = arith.constant 0 : i32
      %dma_start3A_239 = arith.constant 0 : i32
      %dma_start3A_240 = tpu.memref_slice %arg7[%dma_start3A_229, %dma_start3A_238, %dma_start3A_239] : memref<4x512x32xf32, #tpu.memory_space<vmem>> -> memref<1x512x32xf32, #tpu.memory_space<vmem>>
      %dma_start3A_241 = tpu.memref_squeeze %dma_start3A_240 : memref<1x512x32xf32, #tpu.memory_space<vmem>> -> memref<512x32xf32, #tpu.memory_space<vmem>>
      tpu.enqueue_dma source(%dma_start3A_241 : memref<512x32xf32, #tpu.memory_space<vmem>>) target(%dma_start3A_237 : memref<512x32xf32, #tpu.memory_space<hbm>>) target_semaphore(%arg14 : memref<!tpu.dma_semaphore, #tpu.memory_space<semaphore_mem>>)
      %mul3A_242 = arith.constant 4 : i32
      %mul3A_243 = arith.muli %scan3A_95, %mul3A_242 : i32
      %add3A_244 = arith.constant 3 : i32
      %add3A_245 = arith.addi %mul3A_243, %add3A_244 : i32
      %add3A_246 = arith.constant 2 : i32
      %add3A_247 = arith.addi %add3A_245, %add3A_246 : i32
      %lt3A_248 = arith.constant 24 : i32
      %lt3A_249 = arith.cmpi slt, %add3A_247, %lt3A_248 : i32
      %ge3A_250 = arith.constant 4 : i32
      %ge3A_251 = arith.cmpi sge, %add3A_247, %ge3A_250 : i32
      %and3A_252 = arith.andi %lt3A_249, %ge3A_251 : i1
      %convert_element_type3A_253 = arith.extui %and3A_252 : i1 to i32
      %cond3A_254 = arith.constant 0 : i32
      %cond3A_255 = arith.cmpi ne, %convert_element_type3A_253, %cond3A_254 : i32
      scf.if %cond3A_255 {
        %dma_wait3A_292 = arith.constant 1 : i32
        %dma_wait3A_293 = arith.constant 0 : i32
        %dma_wait3A_294 = arith.constant 0 : i32
        %dma_wait3A_295 = tpu.memref_slice %arg7[%dma_wait3A_292, %dma_wait3A_293, %dma_wait3A_294] : memref<4x512x32xf32, #tpu.memory_space<vmem>> -> memref<1x512x32xf32, #tpu.memory_space<vmem>>
        %dma_wait3A_296 = tpu.memref_squeeze %dma_wait3A_295 : memref<1x512x32xf32, #tpu.memory_space<vmem>> -> memref<512x32xf32, #tpu.memory_space<vmem>>
        %dma_wait3A_297 = arith.constant 0 : i32
        %dma_wait3A_298 = arith.constant 0 : i32
        %dma_wait3A_299 = tpu.memref_slice %arg2[%dma_wait3A_297, %dma_wait3A_298] : memref<393216x32xf32, #tpu.memory_space<hbm>> -> memref<512x32xf32, #tpu.memory_space<hbm>>
        %dma_wait3A_300 = arith.constant 0 : i32
        %dma_wait3A_301 = arith.constant 0 : i32
        %dma_wait3A_302 = tpu.memref_slice %arg2[%dma_wait3A_300, %dma_wait3A_301] : memref<393216x32xf32, #tpu.memory_space<hbm>> -> memref<512x32xf32, #tpu.memory_space<hbm>>
        %dma_wait3A_303 = arith.constant 0 : i32
        %dma_wait3A_304 = arith.constant 0 : i32
        %dma_wait3A_305 = tpu.memref_slice %arg7[%dma_wait3A_292, %dma_wait3A_303, %dma_wait3A_304] : memref<4x512x32xf32, #tpu.memory_space<vmem>> -> memref<1x512x32xf32, #tpu.memory_space<vmem>>
        %dma_wait3A_306 = tpu.memref_squeeze %dma_wait3A_305 : memref<1x512x32xf32, #tpu.memory_space<vmem>> -> memref<512x32xf32, #tpu.memory_space<vmem>>
        tpu.wait_dma2 semaphore(%arg13 : memref<!tpu.dma_semaphore, #tpu.memory_space<semaphore_mem>>) src(%dma_wait3A_306 : memref<512x32xf32, #tpu.memory_space<vmem>>) dst(%dma_wait3A_302 : memref<512x32xf32, #tpu.memory_space<hbm>>)
      } else {
      }
      %lt3A_256 = arith.constant 24 : i32
      %lt3A_257 = arith.cmpi slt, %add3A_247, %lt3A_256 : i32
      %convert_element_type3A_258 = arith.extui %lt3A_257 : i1 to i32
      %cond3A_259 = arith.constant 0 : i32
      %cond3A_260 = arith.cmpi ne, %convert_element_type3A_258, %cond3A_259 : i32
      scf.if %cond3A_260 {
        %scan3A_292 = arith.constant 0 : i32
        %scan3A_293 = arith.constant 16 : i32
        %scan3A_294 = arith.addi %scan3A_292, %scan3A_293 : i32
        %scan3A_295 = arith.constant 1 : i32
        scf.for %scan3A_297 = %scan3A_292 to %scan3A_294 step %scan3A_295  : i32 {
          %mul3A_298 = arith.constant 16 : i32
          %mul3A_299 = arith.muli %add3A_247, %mul3A_298 : i32
          %add3A_300 = arith.addi %mul3A_4, %mul3A_299 : i32
          %add3A_301 = arith.addi %add3A_300, %scan3A_297 : i32
          %mul3A_302 = arith.constant 32 : i32
          %mul3A_303 = arith.muli %add3A_301, %mul3A_302 : i32
          %jit3A_304 = arith.constant 768 : i32
          %div3A = arith.divsi %add3A_301, %jit3A_304 : i32
          %sign3A = arith.constant 0 : i32
          %sign3A_305 = arith.cmpi sgt, %add3A_301, %sign3A : i32
          %sign3A_306 = arith.extui %sign3A_305 : i1 to i32
          %sign3A_307 = arith.constant 0 : i32
          %sign3A_308 = arith.cmpi slt, %add3A_301, %sign3A_307 : i32
          %sign3A_309 = arith.extui %sign3A_308 : i1 to i32
          %sign3A_310 = arith.subi %sign3A_306, %sign3A_309 : i32
          %sign3A_311 = arith.constant 0 : i32
          %sign3A_312 = arith.cmpi sgt, %jit3A_304, %sign3A_311 : i32
          %sign3A_313 = arith.extui %sign3A_312 : i1 to i32
          %sign3A_314 = arith.constant 0 : i32
          %sign3A_315 = arith.cmpi slt, %jit3A_304, %sign3A_314 : i32
          %sign3A_316 = arith.extui %sign3A_315 : i1 to i32
          %sign3A_317 = arith.subi %sign3A_313, %sign3A_316 : i32
          %ne3A_318 = arith.cmpi ne, %sign3A_310, %sign3A_317 : i32
          %rem3A_319 = arith.remsi %add3A_301, %jit3A_304 : i32
          %ne3A_320 = arith.constant 0 : i32
          %ne3A_321 = arith.cmpi ne, %rem3A_319, %ne3A_320 : i32
          %and3A_322 = arith.andi %ne3A_318, %ne3A_321 : i1
          %sub3A = arith.constant 1 : i32
          %sub3A_323 = arith.subi %div3A, %sub3A : i32
          %select_n3A_324 = arith.select %and3A_322, %sub3A_323, %div3A : i32
          %mul3A_325 = arith.constant 16 : i32
          %mul3A_326 = arith.muli %select_n3A_324, %mul3A_325 : i32
          %jit3A_327 = arith.constant 256 : i32
          %eq3A_328 = arith.constant 0 : i32
          %eq3A_329 = arith.cmpi eq, %jit3A_327, %eq3A_328 : i32
          %jit3A_330 = arith.constant 1 : i32
          %select_n3A_331 = arith.select %eq3A_329, %jit3A_330, %jit3A_327 : i32
          %rem3A_332 = arith.remsi %add3A_301, %select_n3A_331 : i32
          %ne3A_333 = arith.constant 0 : i32
          %ne3A_334 = arith.cmpi ne, %rem3A_332, %ne3A_333 : i32
          %lt3A_335 = arith.constant 0 : i32
          %lt3A_336 = arith.cmpi slt, %rem3A_332, %lt3A_335 : i32
          %lt3A_337 = arith.constant 0 : i32
          %lt3A_338 = arith.cmpi slt, %select_n3A_331, %lt3A_337 : i32
          %ne3A_339 = arith.xori %lt3A_336, %lt3A_338 : i1
          %and3A_340 = arith.andi %ne3A_339, %ne3A_334 : i1
          %add3A_341 = arith.addi %rem3A_332, %select_n3A_331 : i32
          %select_n3A_342 = arith.select %and3A_340, %add3A_341, %rem3A_332 : i32
          %jit3A_343 = arith.constant 16 : i32
          %div3A_344 = arith.divsi %select_n3A_342, %jit3A_343 : i32
          %sign3A_345 = arith.constant 0 : i32
          %sign3A_346 = arith.cmpi sgt, %select_n3A_342, %sign3A_345 : i32
          %sign3A_347 = arith.extui %sign3A_346 : i1 to i32
          %sign3A_348 = arith.constant 0 : i32
          %sign3A_349 = arith.cmpi slt, %select_n3A_342, %sign3A_348 : i32
          %sign3A_350 = arith.extui %sign3A_349 : i1 to i32
          %sign3A_351 = arith.subi %sign3A_347, %sign3A_350 : i32
          %sign3A_352 = arith.constant 0 : i32
          %sign3A_353 = arith.cmpi sgt, %jit3A_343, %sign3A_352 : i32
          %sign3A_354 = arith.extui %sign3A_353 : i1 to i32
          %sign3A_355 = arith.constant 0 : i32
          %sign3A_356 = arith.cmpi slt, %jit3A_343, %sign3A_355 : i32
          %sign3A_357 = arith.extui %sign3A_356 : i1 to i32
          %sign3A_358 = arith.subi %sign3A_354, %sign3A_357 : i32
          %ne3A_359 = arith.cmpi ne, %sign3A_351, %sign3A_358 : i32
          %rem3A_360 = arith.remsi %select_n3A_342, %jit3A_343 : i32
          %ne3A_361 = arith.constant 0 : i32
          %ne3A_362 = arith.cmpi ne, %rem3A_360, %ne3A_361 : i32
          %and3A_363 = arith.andi %ne3A_359, %ne3A_362 : i1
          %sub3A_364 = arith.constant 1 : i32
          %sub3A_365 = arith.subi %div3A_344, %sub3A_364 : i32
          %select_n3A_366 = arith.select %and3A_363, %sub3A_365, %div3A_344 : i32
          %add3A_367 = arith.addi %mul3A_326, %select_n3A_366 : i32
          %mul3A_368 = arith.constant 16 : i32
          %mul3A_369 = arith.muli %add3A_367, %mul3A_368 : i32
          %jit3A_370 = arith.constant 4 : i32
          %eq3A_371 = arith.constant 0 : i32
          %eq3A_372 = arith.cmpi eq, %jit3A_370, %eq3A_371 : i32
          %jit3A_373 = arith.constant 1 : i32
          %select_n3A_374 = arith.select %eq3A_372, %jit3A_373, %jit3A_370 : i32
          %rem3A_375 = arith.remsi %add3A_301, %select_n3A_374 : i32
          %ne3A_376 = arith.constant 0 : i32
          %ne3A_377 = arith.cmpi ne, %rem3A_375, %ne3A_376 : i32
          %lt3A_378 = arith.constant 0 : i32
          %lt3A_379 = arith.cmpi slt, %rem3A_375, %lt3A_378 : i32
          %lt3A_380 = arith.constant 0 : i32
          %lt3A_381 = arith.cmpi slt, %select_n3A_374, %lt3A_380 : i32
          %ne3A_382 = arith.xori %lt3A_379, %lt3A_381 : i1
          %and3A_383 = arith.andi %ne3A_382, %ne3A_377 : i1
          %add3A_384 = arith.addi %rem3A_375, %select_n3A_374 : i32
          %select_n3A_385 = arith.select %and3A_383, %add3A_384, %rem3A_375 : i32
          %mul3A_386 = arith.constant 4 : i32
          %mul3A_387 = arith.muli %mul3A_386, %select_n3A_385 : i32
          %add3A_388 = arith.addi %mul3A_369, %mul3A_387 : i32
          %add3A_389 = vector.broadcast %add3A_388 : i32 to vector<16xi32>
          %add3A_390 = arith.addi %add3A_389, %select_n3A_19 : vector<16xi32>
          %gather3A = tpu.vector_load_idx %arg5[%add3A_390] : memref<4096xi32, #tpu.memory_space<vmem>>[vector<16xi32>], vector<16xi32>,
          %abs3A = math.absi %gather3A : vector<16xi32>
          %reduce_max3A = arith.constant true
          %reduce_max3A_391 = vector.broadcast %reduce_max3A : i1 to vector<16xi1>
          %reduce_max3A_392 = arith.constant -2147483648 : i32
          %reduce_max3A_393 = vector.broadcast %reduce_max3A_392 : i32 to vector<16xi32>
          %reduce_max3A_394 = arith.xori %abs3A, %reduce_max3A_393 : vector<16xi32>
          %reduce_max3A_395 = tpu.scan <max>, %reduce_max3A_394 masked %reduce_max3A_391 : vector<16xi32>, vector<16xi1> -> vector<16xi32>
          %reduce_max3A_396 = arith.xori %reduce_max3A_395, %reduce_max3A_393 : vector<16xi32>
          %reduce_max3A_397 = vector.extract %reduce_max3A_396[15] : i32 from vector<16xi32>
          %eq3A_398 = arith.constant 0 : i32
          %eq3A_399 = arith.cmpi eq, %reduce_max3A_397, %eq3A_398 : i32
          %convert_element_type3A_400 = arith.extui %eq3A_399 : i1 to i32
          %cond3A_401 = arith.constant 0 : i32
          %cond3A_402 = arith.cmpi ne, %convert_element_type3A_400, %cond3A_401 : i32
          scf.if %cond3A_402 {
            %mul3A_408 = arith.constant 32 : i32
            %mul3A_409 = arith.muli %scan3A_297, %mul3A_408 : i32
            %dma_start3A_410 = arith.constant 1 : i32
            %dma_start3A_411 = arith.constant 0 : i32
            %dma_start3A_412 = arith.constant 0 : i32
            %dma_start3A_413 = tpu.memref_slice %arg7[%dma_start3A_410, %dma_start3A_411, %dma_start3A_412] : memref<4x512x32xf32, #tpu.memory_space<vmem>> -> memref<1x512x32xf32, #tpu.memory_space<vmem>>
            %dma_start3A_414 = tpu.memref_squeeze %dma_start3A_413 : memref<1x512x32xf32, #tpu.memory_space<vmem>> -> memref<512x32xf32, #tpu.memory_space<vmem>>
            %dma_start3A_415 = arith.constant 0 : i32
            %dma_start3A_416 = tpu.memref_slice %dma_start3A_414[%mul3A_409, %dma_start3A_415] : memref<512x32xf32, #tpu.memory_space<vmem>> -> memref<32x32xf32, #tpu.memory_space<vmem>>
            %dma_start3A_417 = arith.constant 0 : i32
            %dma_start3A_418 = tpu.memref_slice %arg2[%mul3A_303, %dma_start3A_417] : memref<393216x32xf32, #tpu.memory_space<hbm>> -> memref<32x32xf32, #tpu.memory_space<hbm>>
            %dma_start3A_419 = arith.constant 0 : i32
            %dma_start3A_420 = arith.constant 0 : i32
            %dma_start3A_421 = tpu.memref_slice %arg7[%dma_start3A_410, %dma_start3A_419, %dma_start3A_420] : memref<4x512x32xf32, #tpu.memory_space<vmem>> -> memref<1x512x32xf32, #tpu.memory_space<vmem>>
            %dma_start3A_422 = tpu.memref_squeeze %dma_start3A_421 : memref<1x512x32xf32, #tpu.memory_space<vmem>> -> memref<512x32xf32, #tpu.memory_space<vmem>>
            %dma_start3A_423 = arith.constant 0 : i32
            %dma_start3A_424 = tpu.memref_slice %dma_start3A_422[%mul3A_409, %dma_start3A_423] : memref<512x32xf32, #tpu.memory_space<vmem>> -> memref<32x32xf32, #tpu.memory_space<vmem>>
            %dma_start3A_425 = arith.constant 0 : i32
            %dma_start3A_426 = tpu.memref_slice %arg2[%mul3A_303, %dma_start3A_425] : memref<393216x32xf32, #tpu.memory_space<hbm>> -> memref<32x32xf32, #tpu.memory_space<hbm>>
            tpu.enqueue_dma source(%dma_start3A_426 : memref<32x32xf32, #tpu.memory_space<hbm>>) target(%dma_start3A_424 : memref<32x32xf32, #tpu.memory_space<vmem>>) target_semaphore(%arg9 : memref<!tpu.dma_semaphore, #tpu.memory_space<semaphore_mem>>)
          } else {
          }
          %ne3A_403 = arith.constant 0 : i32
          %ne3A_404 = arith.cmpi ne, %reduce_max3A_397, %ne3A_403 : i32
          %convert_element_type3A_405 = arith.extui %ne3A_404 : i1 to i32
          %cond3A_406 = arith.constant 0 : i32
          %cond3A_407 = arith.cmpi ne, %convert_element_type3A_405, %cond3A_406 : i32
          scf.if %cond3A_407 {
            %add3A_408 = vector.broadcast %mul3A_303 : i32 to vector<16xi32>
            %add3A_409 = arith.addi %add3A_408, %iota3A : vector<16xi32>
            %add3A_410 = arith.addi %add3A_409, %gather3A : vector<16xi32>
            %mul3A_411 = arith.constant 32 : i32
            %mul3A_412 = arith.muli %scan3A_297, %mul3A_411 : i32
            %swap3A = arith.constant 1 : i32
            %swap3A_413 = arith.constant 0 : i32
            %swap3A_414 = tpu.memref_slice %arg6[%swap3A, %swap3A_413] : memref<4x512xi32, #tpu.memory_space<vmem>> -> memref<1x512xi32, #tpu.memory_space<vmem>>
            %swap3A_415 = tpu.memref_squeeze %swap3A_414 : memref<1x512xi32, #tpu.memory_space<vmem>> -> memref<512xi32, #tpu.memory_space<vmem>>
            %swap3A_416 = arith.index_cast %mul3A_412 : i32 to index
            %swap3A_417 = tpu.vector_load %swap3A_415[%swap3A_416] {strides = array<i32>} : memref<512xi32, #tpu.memory_space<vmem>>, vector<16xi32>,
            tpu.vector_store %swap3A_415[%swap3A_416], %add3A_410 {strides = array<i32>} : memref<512xi32, #tpu.memory_space<vmem>>, vector<16xi32>,
            %add3A_418 = arith.constant 16 : i32
            %add3A_419 = arith.addi %mul3A_303, %add3A_418 : i32
            %add3A_420 = vector.broadcast %add3A_419 : i32 to vector<16xi32>
            %add3A_421 = arith.addi %add3A_420, %iota3A : vector<16xi32>
            %add3A_422 = arith.addi %add3A_421, %gather3A : vector<16xi32>
            %mul3A_423 = arith.constant 32 : i32
            %mul3A_424 = arith.muli %scan3A_297, %mul3A_423 : i32
            %add3A_425 = arith.constant 16 : i32
            %add3A_426 = arith.addi %mul3A_424, %add3A_425 : i32
            %swap3A_427 = arith.constant 1 : i32
            %swap3A_428 = arith.constant 0 : i32
            %swap3A_429 = tpu.memref_slice %arg6[%swap3A_427, %swap3A_428] : memref<4x512xi32, #tpu.memory_space<vmem>> -> memref<1x512xi32, #tpu.memory_space<vmem>>
            %swap3A_430 = tpu.memref_squeeze %swap3A_429 : memref<1x512xi32, #tpu.memory_space<vmem>> -> memref<512xi32, #tpu.memory_space<vmem>>
            %swap3A_431 = arith.index_cast %add3A_426 : i32 to index
            %swap3A_432 = tpu.vector_load %swap3A_430[%swap3A_431] {strides = array<i32>} : memref<512xi32, #tpu.memory_space<vmem>>, vector<16xi32>,
            tpu.vector_store %swap3A_430[%swap3A_431], %add3A_422 {strides = array<i32>} : memref<512xi32, #tpu.memory_space<vmem>>, vector<16xi32>,
            %mul3A_433 = arith.constant 32 : i32
            %mul3A_434 = arith.muli %scan3A_297, %mul3A_433 : i32
            %mul3A_435 = arith.constant 32 : i32
            %mul3A_436 = arith.muli %scan3A_297, %mul3A_435 : i32
            %dma_start3A_437 = arith.constant 1 : i32
            %dma_start3A_438 = arith.constant 1 : i32
            %dma_start3A_439 = arith.constant 0 : i32
            %dma_start3A_440 = arith.constant 0 : i32
            %dma_start3A_441 = tpu.memref_slice %arg7[%dma_start3A_438, %dma_start3A_439, %dma_start3A_440] : memref<4x512x32xf32, #tpu.memory_space<vmem>> -> memref<1x512x32xf32, #tpu.memory_space<vmem>>
            %dma_start3A_442 = tpu.memref_squeeze %dma_start3A_441 : memref<1x512x32xf32, #tpu.memory_space<vmem>> -> memref<512x32xf32, #tpu.memory_space<vmem>>
            %dma_start3A_443 = arith.constant 0 : i32
            %dma_start3A_444 = tpu.memref_slice %dma_start3A_442[%mul3A_436, %dma_start3A_443] : memref<512x32xf32, #tpu.memory_space<vmem>> -> memref<32x32xf32, #tpu.memory_space<vmem>>
            %dma_start3A_445 = arith.constant 0 : i32
            %dma_start3A_446 = tpu.memref_slice %arg6[%dma_start3A_437, %dma_start3A_445] : memref<4x512xi32, #tpu.memory_space<vmem>> -> memref<1x512xi32, #tpu.memory_space<vmem>>
            %dma_start3A_447 = tpu.memref_squeeze %dma_start3A_446 : memref<1x512xi32, #tpu.memory_space<vmem>> -> memref<512xi32, #tpu.memory_space<vmem>>
            %dma_start3A_448 = tpu.memref_slice %dma_start3A_447[%mul3A_434] : memref<512xi32, #tpu.memory_space<vmem>> -> memref<32xi32, #tpu.memory_space<vmem>>
            %dma_start3A_449 = arith.constant 0 : i32
            %dma_start3A_450 = arith.constant 0 : i32
            %dma_start3A_451 = tpu.memref_slice %arg2[%dma_start3A_449, %dma_start3A_450] : memref<393216x32xf32, #tpu.memory_space<hbm>> -> memref<393216x32xf32, #tpu.memory_space<hbm>>
            tpu.enqueue_indirect_dma source(%dma_start3A_451 : memref<393216x32xf32, #tpu.memory_space<hbm>>) target(%dma_start3A_444 : memref<32x32xf32, #tpu.memory_space<vmem>>) offsets(%dma_start3A_448 : memref<32xi32, #tpu.memory_space<vmem>>) semaphore(%arg9 : memref<!tpu.dma_semaphore, #tpu.memory_space<semaphore_mem>>)
          } else {
          }
        }
        %scan3A_296 = arith.constant 16 : i32
      } else {
      }
      %dma_wait3A_261 = arith.constant 3 : i32
      %dma_wait3A_262 = arith.constant 0 : i32
      %dma_wait3A_263 = arith.constant 0 : i32
      %dma_wait3A_264 = tpu.memref_slice %arg7[%dma_wait3A_261, %dma_wait3A_262, %dma_wait3A_263] : memref<4x512x32xf32, #tpu.memory_space<vmem>> -> memref<1x512x32xf32, #tpu.memory_space<vmem>>
      %dma_wait3A_265 = tpu.memref_squeeze %dma_wait3A_264 : memref<1x512x32xf32, #tpu.memory_space<vmem>> -> memref<512x32xf32, #tpu.memory_space<vmem>>
      %dma_wait3A_266 = arith.constant 0 : i32
      %dma_wait3A_267 = arith.constant 0 : i32
      %dma_wait3A_268 = tpu.memref_slice %arg2[%dma_wait3A_266, %dma_wait3A_267] : memref<393216x32xf32, #tpu.memory_space<hbm>> -> memref<512x32xf32, #tpu.memory_space<hbm>>
      %dma_wait3A_269 = arith.constant 0 : i32
      %dma_wait3A_270 = arith.constant 0 : i32
      %dma_wait3A_271 = tpu.memref_slice %arg7[%dma_wait3A_261, %dma_wait3A_269, %dma_wait3A_270] : memref<4x512x32xf32, #tpu.memory_space<vmem>> -> memref<1x512x32xf32, #tpu.memory_space<vmem>>
      %dma_wait3A_272 = tpu.memref_squeeze %dma_wait3A_271 : memref<1x512x32xf32, #tpu.memory_space<vmem>> -> memref<512x32xf32, #tpu.memory_space<vmem>>
      %dma_wait3A_273 = arith.constant 0 : i32
      %dma_wait3A_274 = arith.constant 0 : i32
      %dma_wait3A_275 = tpu.memref_slice %arg2[%dma_wait3A_273, %dma_wait3A_274] : memref<393216x32xf32, #tpu.memory_space<hbm>> -> memref<512x32xf32, #tpu.memory_space<hbm>>
      tpu.wait_dma2 semaphore(%arg11 : memref<!tpu.dma_semaphore, #tpu.memory_space<semaphore_mem>>) src(%dma_wait3A_275 : memref<512x32xf32, #tpu.memory_space<hbm>>) dst(%dma_wait3A_272 : memref<512x32xf32, #tpu.memory_space<vmem>>)
      %mul3A_276 = arith.constant 512 : i32
      %mul3A_277 = arith.muli %add3A_245, %mul3A_276 : i32
      %add3A_278 = arith.addi %mul3A_2, %mul3A_277 : i32
      %dma_start3A_279 = arith.constant 3 : i32
      %dma_start3A_280 = arith.constant 0 : i32
      %dma_start3A_281 = arith.constant 0 : i32
      %dma_start3A_282 = tpu.memref_slice %arg7[%dma_start3A_279, %dma_start3A_280, %dma_start3A_281] : memref<4x512x32xf32, #tpu.memory_space<vmem>> -> memref<1x512x32xf32, #tpu.memory_space<vmem>>
      %dma_start3A_283 = tpu.memref_squeeze %dma_start3A_282 : memref<1x512x32xf32, #tpu.memory_space<vmem>> -> memref<512x32xf32, #tpu.memory_space<vmem>>
      %dma_start3A_284 = arith.constant 0 : i32
      %dma_start3A_285 = tpu.memref_slice %arg4[%add3A_278, %dma_start3A_284] : memref<393216x32xf32, #tpu.memory_space<hbm>> -> memref<512x32xf32, #tpu.memory_space<hbm>>
      %dma_start3A_286 = arith.constant 0 : i32
      %dma_start3A_287 = tpu.memref_slice %arg4[%add3A_278, %dma_start3A_286] : memref<393216x32xf32, #tpu.memory_space<hbm>> -> memref<512x32xf32, #tpu.memory_space<hbm>>
      %dma_start3A_288 = arith.constant 0 : i32
      %dma_start3A_289 = arith.constant 0 : i32
      %dma_start3A_290 = tpu.memref_slice %arg7[%dma_start3A_279, %dma_start3A_288, %dma_start3A_289] : memref<4x512x32xf32, #tpu.memory_space<vmem>> -> memref<1x512x32xf32, #tpu.memory_space<vmem>>
      %dma_start3A_291 = tpu.memref_squeeze %dma_start3A_290 : memref<1x512x32xf32, #tpu.memory_space<vmem>> -> memref<512x32xf32, #tpu.memory_space<vmem>>
      tpu.enqueue_dma source(%dma_start3A_291 : memref<512x32xf32, #tpu.memory_space<vmem>>) target(%dma_start3A_287 : memref<512x32xf32, #tpu.memory_space<hbm>>) target_semaphore(%arg15 : memref<!tpu.dma_semaphore, #tpu.memory_space<semaphore_mem>>)
    }
    %scan3A_35 = arith.constant 6 : i32
    %add3A_36 = arith.constant 10240 : i32
    %add3A_37 = arith.addi %mul3A_2, %add3A_36 : i32
    %dma_wait3A = arith.constant 0 : i32
    %dma_wait3A_38 = arith.constant 0 : i32
    %dma_wait3A_39 = arith.constant 0 : i32
    %dma_wait3A_40 = tpu.memref_slice %arg7[%dma_wait3A, %dma_wait3A_38, %dma_wait3A_39] : memref<4x512x32xf32, #tpu.memory_space<vmem>> -> memref<1x512x32xf32, #tpu.memory_space<vmem>>
    %dma_wait3A_41 = tpu.memref_squeeze %dma_wait3A_40 : memref<1x512x32xf32, #tpu.memory_space<vmem>> -> memref<512x32xf32, #tpu.memory_space<vmem>>
    %dma_wait3A_42 = arith.constant 0 : i32
    %dma_wait3A_43 = tpu.memref_slice %arg4[%add3A_37, %dma_wait3A_42] : memref<393216x32xf32, #tpu.memory_space<hbm>> -> memref<512x32xf32, #tpu.memory_space<hbm>>
    %dma_wait3A_44 = arith.constant 0 : i32
    %dma_wait3A_45 = tpu.memref_slice %arg4[%add3A_37, %dma_wait3A_44] : memref<393216x32xf32, #tpu.memory_space<hbm>> -> memref<512x32xf32, #tpu.memory_space<hbm>>
    %dma_wait3A_46 = arith.constant 0 : i32
    %dma_wait3A_47 = arith.constant 0 : i32
    %dma_wait3A_48 = tpu.memref_slice %arg7[%dma_wait3A, %dma_wait3A_46, %dma_wait3A_47] : memref<4x512x32xf32, #tpu.memory_space<vmem>> -> memref<1x512x32xf32, #tpu.memory_space<vmem>>
    %dma_wait3A_49 = tpu.memref_squeeze %dma_wait3A_48 : memref<1x512x32xf32, #tpu.memory_space<vmem>> -> memref<512x32xf32, #tpu.memory_space<vmem>>
    tpu.wait_dma2 semaphore(%arg12 : memref<!tpu.dma_semaphore, #tpu.memory_space<semaphore_mem>>) src(%dma_wait3A_49 : memref<512x32xf32, #tpu.memory_space<vmem>>) dst(%dma_wait3A_45 : memref<512x32xf32, #tpu.memory_space<hbm>>)
    %add3A_50 = arith.constant 10752 : i32
    %add3A_51 = arith.addi %mul3A_2, %add3A_50 : i32
    %dma_wait3A_52 = arith.constant 1 : i32
    %dma_wait3A_53 = arith.constant 0 : i32
    %dma_wait3A_54 = arith.constant 0 : i32
    %dma_wait3A_55 = tpu.memref_slice %arg7[%dma_wait3A_52, %dma_wait3A_53, %dma_wait3A_54] : memref<4x512x32xf32, #tpu.memory_space<vmem>> -> memref<1x512x32xf32, #tpu.memory_space<vmem>>
    %dma_wait3A_56 = tpu.memref_squeeze %dma_wait3A_55 : memref<1x512x32xf32, #tpu.memory_space<vmem>> -> memref<512x32xf32, #tpu.memory_space<vmem>>
    %dma_wait3A_57 = arith.constant 0 : i32
    %dma_wait3A_58 = tpu.memref_slice %arg4[%add3A_51, %dma_wait3A_57] : memref<393216x32xf32, #tpu.memory_space<hbm>> -> memref<512x32xf32, #tpu.memory_space<hbm>>
    %dma_wait3A_59 = arith.constant 0 : i32
    %dma_wait3A_60 = tpu.memref_slice %arg4[%add3A_51, %dma_wait3A_59] : memref<393216x32xf32, #tpu.memory_space<hbm>> -> memref<512x32xf32, #tpu.memory_space<hbm>>
    %dma_wait3A_61 = arith.constant 0 : i32
    %dma_wait3A_62 = arith.constant 0 : i32
    %dma_wait3A_63 = tpu.memref_slice %arg7[%dma_wait3A_52, %dma_wait3A_61, %dma_wait3A_62] : memref<4x512x32xf32, #tpu.memory_space<vmem>> -> memref<1x512x32xf32, #tpu.memory_space<vmem>>
    %dma_wait3A_64 = tpu.memref_squeeze %dma_wait3A_63 : memref<1x512x32xf32, #tpu.memory_space<vmem>> -> memref<512x32xf32, #tpu.memory_space<vmem>>
    tpu.wait_dma2 semaphore(%arg13 : memref<!tpu.dma_semaphore, #tpu.memory_space<semaphore_mem>>) src(%dma_wait3A_64 : memref<512x32xf32, #tpu.memory_space<vmem>>) dst(%dma_wait3A_60 : memref<512x32xf32, #tpu.memory_space<hbm>>)
    %add3A_65 = arith.constant 11264 : i32
    %add3A_66 = arith.addi %mul3A_2, %add3A_65 : i32
    %dma_wait3A_67 = arith.constant 2 : i32
    %dma_wait3A_68 = arith.constant 0 : i32
    %dma_wait3A_69 = arith.constant 0 : i32
    %dma_wait3A_70 = tpu.memref_slice %arg7[%dma_wait3A_67, %dma_wait3A_68, %dma_wait3A_69] : memref<4x512x32xf32, #tpu.memory_space<vmem>> -> memref<1x512x32xf32, #tpu.memory_space<vmem>>
    %dma_wait3A_71 = tpu.memref_squeeze %dma_wait3A_70 : memref<1x512x32xf32, #tpu.memory_space<vmem>> -> memref<512x32xf32, #tpu.memory_space<vmem>>
    %dma_wait3A_72 = arith.constant 0 : i32
    %dma_wait3A_73 = tpu.memref_slice %arg4[%add3A_66, %dma_wait3A_72] : memref<393216x32xf32, #tpu.memory_space<hbm>> -> memref<512x32xf32, #tpu.memory_space<hbm>>
    %dma_wait3A_74 = arith.constant 0 : i32
    %dma_wait3A_75 = tpu.memref_slice %arg4[%add3A_66, %dma_wait3A_74] : memref<393216x32xf32, #tpu.memory_space<hbm>> -> memref<512x32xf32, #tpu.memory_space<hbm>>
    %dma_wait3A_76 = arith.constant 0 : i32
    %dma_wait3A_77 = arith.constant 0 : i32
    %dma_wait3A_78 = tpu.memref_slice %arg7[%dma_wait3A_67, %dma_wait3A_76, %dma_wait3A_77] : memref<4x512x32xf32, #tpu.memory_space<vmem>> -> memref<1x512x32xf32, #tpu.memory_space<vmem>>
    %dma_wait3A_79 = tpu.memref_squeeze %dma_wait3A_78 : memref<1x512x32xf32, #tpu.memory_space<vmem>> -> memref<512x32xf32, #tpu.memory_space<vmem>>
    tpu.wait_dma2 semaphore(%arg14 : memref<!tpu.dma_semaphore, #tpu.memory_space<semaphore_mem>>) src(%dma_wait3A_79 : memref<512x32xf32, #tpu.memory_space<vmem>>) dst(%dma_wait3A_75 : memref<512x32xf32, #tpu.memory_space<hbm>>)
    %add3A_80 = arith.constant 11776 : i32
    %add3A_81 = arith.addi %mul3A_2, %add3A_80 : i32
    %dma_wait3A_82 = arith.constant 3 : i32
    %dma_wait3A_83 = arith.constant 0 : i32
    %dma_wait3A_84 = arith.constant 0 : i32
    %dma_wait3A_85 = tpu.memref_slice %arg7[%dma_wait3A_82, %dma_wait3A_83, %dma_wait3A_84] : memref<4x512x32xf32, #tpu.memory_space<vmem>> -> memref<1x512x32xf32, #tpu.memory_space<vmem>>
    %dma_wait3A_86 = tpu.memref_squeeze %dma_wait3A_85 : memref<1x512x32xf32, #tpu.memory_space<vmem>> -> memref<512x32xf32, #tpu.memory_space<vmem>>
    %dma_wait3A_87 = arith.constant 0 : i32
    %dma_wait3A_88 = tpu.memref_slice %arg4[%add3A_81, %dma_wait3A_87] : memref<393216x32xf32, #tpu.memory_space<hbm>> -> memref<512x32xf32, #tpu.memory_space<hbm>>
    %dma_wait3A_89 = arith.constant 0 : i32
    %dma_wait3A_90 = tpu.memref_slice %arg4[%add3A_81, %dma_wait3A_89] : memref<393216x32xf32, #tpu.memory_space<hbm>> -> memref<512x32xf32, #tpu.memory_space<hbm>>
    %dma_wait3A_91 = arith.constant 0 : i32
    %dma_wait3A_92 = arith.constant 0 : i32
    %dma_wait3A_93 = tpu.memref_slice %arg7[%dma_wait3A_82, %dma_wait3A_91, %dma_wait3A_92] : memref<4x512x32xf32, #tpu.memory_space<vmem>> -> memref<1x512x32xf32, #tpu.memory_space<vmem>>
    %dma_wait3A_94 = tpu.memref_squeeze %dma_wait3A_93 : memref<1x512x32xf32, #tpu.memory_space<vmem>> -> memref<512x32xf32, #tpu.memory_space<vmem>>
    tpu.wait_dma2 semaphore(%arg15 : memref<!tpu.dma_semaphore, #tpu.memory_space<semaphore_mem>>) src(%dma_wait3A_94 : memref<512x32xf32, #tpu.memory_space<vmem>>) dst(%dma_wait3A_90 : memref<512x32xf32, #tpu.memory_space<hbm>>)
    return
  }
}

</mosaic_0001>

<sc_bundles>
// kernel: kernel.3.cloned.1.call-start
scs
__scs_entry_jumppad:
0x0: {  	(pc) =	sbr.rel $0x88, $3  }
0x1: {  	(tag) =	ssettag $0x0;
	lr =	simm.s32 $0x1  }
0x2: {  	[smem:$0x3FA0] =	sst lr;
	_ =	strace $0xD0000000  }
0x3: {  	_ = 	snop  }
0x4: {  	_ = 	snop  }
0x5: {  	_ = 	snop  }
0x6: {  	_ = 	snop  }
0x7: {  	_ = 	snop  }
__scs_overlays_trampoline_lowered:
0x8: {  	[smem:$0x3FAF] =	sst s0  }
0x9: {  	[smem:$0x3FB0] =	sst s1  }
0xa: {  	[smem:$0x3FB1] =	sst s2  }
0xb: {  	[smem:$0x3FB2] =	sst s3  }
0xc: {  	[smem:$0x3FB3] =	sst s4  }
0xd: {  	[smem:$0x3FB4] =	sst s5  }
0xe: {  	[smem:$0x3FB5] =	sst s6  }
0xf: {  	[smem:$0x3FB6] =	sst s7  }
0x10: {  	[smem:$0x3FB7] =	sst s8  }
0x11: {  	[smem:$0x3FB8] =	sst s9;
	s0 =	simm.s32 @!p0 $0x0  }
0x12: {  	s1 =	sld [smem:$0x3F9E];
	s0 =	simm.s32 @p0 $0x1  }
0x13: {  	[smem:$0x3FB9] =	sst s0;
	s0 =	simm.s32 @!p1 $0x0  }
0x14: {  	s2 =	sld [smem:$0x3F9D];
	s0 =	simm.s32 @p1 $0x1  }
0x15: {  	[smem:$0x3FBA] =	sst s0;
	s0 =	simm.s32 @!p2 $0x0  }
0x16: {  	s3 =	sld [smem:$0x3FDB];
	s0 =	simm.s32 @p2 $0x1  }
0x17: {  	s4 =	simm.s32 $0x1BF5;
	[smem:$0x3FBC] =	sst s0  }
0x18: {  	s0 =	sld [smem:$0x3F9F];
	_ =	swait.ge [sflag:s4], $0x0  }
0x19: {  	s7 =	sld [smem:$0x3FA0]  }
0x1a: {  	s8 =	sadd.s32 $0xFFFFE003, lr  }
0x1b: {  	s9 =	sadd.s32 $0xFFFFFEF7, lr;
	s5 =	simm.s32 $0xFFFFFFFF;
	p2 =	slt.u32 s8, $0xFFFFF086  }
0x1c: {  	p1 =	slt.u32 s9, $0xF7A;
	s5 =	simm.s32 @!p2 $0x0  }
0x1d: {  	s5 =	simm.s32 @p1 $0x1;
	p0 =	seq.s32 s7, s2  }
0x1e: {  	s7 =	smul.u32 @!p0 $0xF7A, s2;
	p2 =	seq.s32 @!p0 s5, $0x0  }
0x1f: {  	s9 =	smul.u32 $0xF7A, s1;
	s8 =	simm.s32 @!p0 $0x1BF5;
	p2 =	por !p2, p0  }
0x20: {  	[sflag:s8] =	ssyncset.s32 @!p0 $0xFFFFF086;
	s6 =	sadd.s32 @!p0 s3, s7;
	s7 =	simm.s32 @!p0 $0x108  }
0x21: {  	s3 =	sadd.s32 s3, s9;
	s6 =	sadd.s32 @!p0 $0x88, s6;
	s7 =	simm.s32 @p2 $0x1082  }
0x22: {  	[simem:s7], [sflag:s8] =	dma.local @!p0 [hbm:s6], $0xF7A  }
0x23: {  	s9 =	sor.u32 $0xD0000000, s2;
	s6 =	simm.s32 $0x108;
	_ =	swait.ge @!p0 [sflag:s8], $0x0  }
0x24: {  	s3 =	sadd.s32 $0x88, s3;
	s6 =	simm.s32 @!p1 $0x1082;
	[sflag:s4] =	ssyncset.s32 $0xFFFFF086  }
0x25: {  	[simem:s6], [sflag:s4] =	dma.local [hbm:s3], $0xF7A  }
0x26: {  	[smem:$0x3FA0] =	sst s1;
	(tag) =	ssettag s2;
	_ =	strace s9  }
0x27: {  	s1 =	sld [smem:$0x3FB0]  }
0x28: {  	s2 =	sld [smem:$0x3FB1]  }
0x29: {  	s4 =	sld [smem:$0x3FB3]  }
0x2a: {  	p0 =	seq.s32 s5, $0x0;
	s5 =	sld [smem:$0x3FB4]  }
0x2b: {  	s6 =	sld [smem:$0x3FB5]  }
0x2c: {  	s7 =	sld [smem:$0x3FB6]  }
0x2d: {  	s3 =	simm.s32 $0x108;
	s8 =	sld [smem:$0x3FB7]  }
0x2e: {  	s3 =	simm.s32 @!p0 $0x1082;
	s9 =	sld [smem:$0x3FB8]  }
0x2f: {  	lr =	sadd.s32 s0, s3;
	s0 =	sld [smem:$0x3FAF]  }
0x30: {  	s3 =	sld [smem:$0x3FB2]  }
0x31: {  	[smem:$0x3FBB] =	sst s10  }
0x32: {  	s10 =	sld [smem:$0x3FB9];
	_ =	sdelay $0x3  }
0x33: {  	p0 =	seq.s32 s10, $0x1;
	s10 =	sld [smem:$0x3FBB];
	_ =	sdelay $0x3  }
0x34: {  	[smem:$0x3FBB] =	sst s10  }
0x35: {  	s10 =	sld [smem:$0x3FBA];
	_ =	sdelay $0x3  }
0x36: {  	p1 =	seq.s32 s10, $0x1;
	s10 =	sld [smem:$0x3FBB];
	_ =	sdelay $0x3  }
0x37: {  	[smem:$0x3FBB] =	sst s10  }
0x38: {  	s10 =	sld [smem:$0x3FBC]  }
0x39: {  	_ = 	snop;
	(pc) =	sbr.ind lr, $3  }
0x3a: {  	_ = 	snop  }
0x3b: {  	_ = 	snop  }
0x3c: {  	p2 =	seq.s32 s10, $0x1;
	s10 =	sld [smem:$0x3FBB]  }
0x3d: {  	_ =	shalt  }
0x3e: {  	_ =	shalt  }
0x3f: {  	_ =	shalt  }
0x40: {  	_ =	shalt  }
0x41: {  	_ =	shalt  }
0x42: {  	_ =	shalt  }
0x43: {  	_ =	shalt  }
0x44: {  	_ =	shalt  }
0x45: {  	_ =	shalt  }
0x46: {  	_ =	shalt  }
0x47: {  	_ =	shalt  }
0x48: {  	_ =	shalt  }
0x49: {  	_ =	shalt  }
0x4a: {  	_ =	shalt  }
0x4b: {  	_ =	shalt  }
0x4c: {  	_ =	shalt  }
0x4d: {  	_ =	shalt  }
0x4e: {  	_ =	shalt  }
0x4f: {  	_ =	shalt  }
0x50: {  	_ =	shalt  }
0x51: {  	_ =	shalt  }
0x52: {  	_ =	shalt  }
0x53: {  	_ =	shalt  }
0x54: {  	_ =	shalt  }
0x55: {  	_ =	shalt  }
0x56: {  	_ =	shalt  }
0x57: {  	_ =	shalt  }
0x58: {  	_ =	shalt  }
0x59: {  	_ =	shalt  }
0x5a: {  	_ =	shalt  }
0x5b: {  	_ =	shalt  }
0x5c: {  	_ =	shalt  }
0x5d: {  	_ =	shalt  }
0x5e: {  	_ =	shalt  }
0x5f: {  	_ =	shalt  }
0x60: {  	_ =	shalt  }
0x61: {  	_ =	shalt  }
0x62: {  	_ =	shalt  }
0x63: {  	_ =	shalt  }
0x64: {  	_ =	shalt  }
0x65: {  	_ =	shalt  }
0x66: {  	_ =	shalt  }
0x67: {  	_ =	shalt  }
0x68: {  	_ =	shalt  }
0x69: {  	_ =	shalt  }
0x6a: {  	_ =	shalt  }
0x6b: {  	_ =	shalt  }
0x6c: {  	_ =	shalt  }
0x6d: {  	_ =	shalt  }
0x6e: {  	_ =	shalt  }
0x6f: {  	_ =	shalt  }
0x70: {  	_ =	shalt  }
0x71: {  	_ =	shalt  }
0x72: {  	_ =	shalt  }
0x73: {  	_ =	shalt  }
0x74: {  	_ =	shalt  }
0x75: {  	_ =	shalt  }
0x76: {  	_ =	shalt  }
0x77: {  	_ =	shalt  }
0x78: {  	_ =	shalt  }
0x79: {  	_ =	shalt  }
0x7a: {  	_ =	shalt  }
0x7b: {  	_ =	shalt  }
0x7c: {  	_ =	shalt  }
0x7d: {  	_ =	shalt  }
0x7e: {  	_ =	shalt  }
0x7f: {  	_ =	shalt  }
0x80: {  	_ =	shalt  }
0x81: {  	_ =	shalt  }
0x82: {  	_ =	shalt  }
0x83: {  	_ =	shalt  }
0x84: {  	_ =	shalt  }
0x85: {  	_ =	shalt  }
0x86: {  	_ =	shalt  }
0x87: {  	_ =	shalt  }
.Lfunc_end0:
.L_simem_size_0:
called_computation_lowered:
.L_overlay_start_0:
0x88: {  	s2 =	sld [smem:$0x3FD9]  }
0x89: {  	s3 =	sld [smem:$0x3FFE];
	_ =	sdelay $0x1  }
0x8a: {  	s1 =	srdreg.scid  }
0x8b: {  	s0 =	sand.u32 $0x1, s1  }
0x8c: {  	s15 =	sshll.u32 s0, $0xA;
	s2 =	sadd.s32 s3, s2  }
0x8d: {  	s2 =	sadd.s32 s2, s15  }
0x8e: {  	[smem:$0x3FC7] =	sst s2  }
0x8f: {  	_ = 	snop  }
0x90: {  	s2 =	sld [smem:$0x3FD0];
	_ =	sdelay $0x2  }
0x91: {  	s4 =	simm.s32 $0xA;
	s5 =	simm.s32 $0x10;
	s16 =	sld [smem:$0x3FC9]  }
0x92: {  	[smem:s5], [sflag:s4] =	dma.local [hbm:s2], $0x1  }
0x93: {  	_ =	swait.eq [sflag:s4], $0x1  }
0x94: {  	[sflag:s4] =	ssyncset.done $0x0  }
0x95: {  	s17 =	sld [smem:$0x10];
	[sflag:s4] =	ssyncadd.s32 $0xFFFFFFFF  }
0x96: {  	s18 =	sld [smem:$0x11];
	(tm) =	ssettm $0x1  }
0x97: {  	s19 =	sld [smem:$0x3FFB];
	_ =	sdelay $0x3  }
0x98: {  	_ =	strace s19  }
0x99: {  	s5 =	sld [smem:$0x3FFC];
	_ =	sdelay $0x3  }
0x9a: {  	_ =	strace s5  }
0x9b: {  	s5 =	sld [smem:$0x3FFD];
	_ =	sdelay $0x3  }
0x9c: {  	_ =	strace s5  }
0x9d: {  	_ =	strace $0x8FFFFFFF  }
0x9e: {  	s20 =	sld [smem:$0x3FDB];
	_ =	sdelay $0x1  }
0x9f: {  	s6 =	simm.s32 $_scs_section_size  }
0xa0: {  	s7 =	simm.s32 $_size__tile_overlayer_lowered;
	s8 =	simm.s32 $_tile_overlayer_lowered  }
0xa1: {  	s23 =	simm.s32 $0x1BFF;
	s22 =	sshll.u32 s8, $0x1;
	s5 =	sadd.s32 s6, s20  }
0xa2: {  	s9 =	simm.s32 $0x0;
	s21 =	sshll.u32 s7, $0x1;
	s7 =	sadd.s32 s22, s5  }
0xa3: {  	[timem:s9], [sflag:s23] =	dma.local [hbm:s7], s21  }
0xa4: {  	_ =	swait.ge [sflag:s23], s21  }
0xa5: {  	s6 =	ssub.s32 $0x0, s21;
	[sflag:s23] =	ssyncset.done $0x0  }
0xa6: {  	[sflag:s23] =	ssyncadd.s32 s6;
	_ =	sdelay $0x1  }
0xa7: {  	s24 =	simm.s32 $0x1B8B  }
0xa8: {  	_ =	swait.ge [sflag:s24], $0x1  }
0xa9: {  	[sflag:s24] =	ssyncset.done $0x0  }
0xaa: {  	s25 =	simm.s32 $0x1B8E;
	[sflag:s24] =	ssyncadd.s32 $0xFFFFFFFF  }
0xab: {  	s26 =	simm.s32 $execute0_lowered;
	[smem:$0x3FD2] =	sst s25  }
0xac: {  	s6 =	sshll.u32 s26, $0x1;
	_ =	strace $0x80000046;
	[dreg:$0x1] =	wrdreg $0xFFFFFFFF  }
0xad: {  	s28 =	simm.s32 $_size_execute0_lowered;
	s5 =	sadd.s32 s5, s6;
	[dreg:$0x0] =	wrdreg $0x0  }
0xae: {  	s6 =	sshll.u32 s28, $0x1;
	[dreg:$0x2] =	wrdreg s5  }
0xaf: {  	[dreg:$0x3] =	wrdreg s6  }
0xb0: {  	[dreg:$0x4] =	wrdreg $0xC0  }
0xb1: {  	_ =	task [dreg:s9], $0x5FFFF  }
0xb2: {  	[dreg:$0x1] =	wrdreg $0xFFFFFFFF  }
0xb3: {  	[dreg:$0x0] =	wrdreg $0x60  }
0xb4: {  	[dreg:$0x2] =	wrdreg s16  }
0xb5: {  	[dreg:$0x3] =	wrdreg s18  }
0xb6: {  	[dreg:$0x4] =	wrdreg s17  }
0xb7: {  	[dreg:$0x5] =	wrdreg $0x9  }
0xb8: {  	_ =	task.clear_ibuf [dreg:s9], $0x6FFFF;
	_ =	strace $0x90000046  }
0xb9: {  	s29 =	simm.s32 $0x9;
	_ =	strace $0x80000048  }
0xba: {  	_ =	swait.ge [sflag:s29], $0x1  }
0xbb: {  	[sflag:s29] =	ssyncadd.s32 $0xFFFFFFFF  }
0xbc: {  	_ =	strace $0x90000048  }
0xbd: {  	_ =	sfence  }
0xbe: {  	s30 =	sld [smem:$0x0];
	_ =	sdelay $0x2  }
0xbf: {  	s31 =	sshll.u32 s1, $0xD;
	s1 =	sshrl.u32 s1, $0x2  }
0xc0: {  	s3 =	sand.u32 $0x4000, s31;
	s1 =	sadd.s32 s1, s30  }
0xc1: {  	s0 =	sor.u32 s3, s0;
	s1 =	sshll.u32 s1, $0x11  }
0xc2: {  	s0 =	sor.u32 s1, s0  }
0xc3: {  	s0 =	sadd.s32 $0x8F2B, s0  }
0xc4: {  	[sflag:s0] =	ssyncadd.remote.s32 $0x1  }
0xc5: {  	_ =	sfence.sel $0xFFFF  }
0xc6: {  	[dreg:$0x0] =	wrdreg $0xFFFFFFFF;
	(pc) =	sbr.abs _section_cstart, $3  }
0xc7: {  	[dreg:$0x1] =	wrdreg $0xFFFFFFFF  }
0xc8: {  	_ =	task.clear_ibuf [dreg:s9], $0x2FFFF;
	_ =	strace $0x9FFFFFFF  }
0xc9: {  	(tm) =	ssettm $0x7FFFFFFF  }
tec
execute0_lowered:
.L_overlay_start_1:
0x0: {  	(tag) =	ssettag $0x1  }
0x1: {  	s0 =	srdreg.scid;
	s5 =	stileid.u32  }
0x2: {  	s2 =	rddreg [dreg:$0x0];
	s9 =	smul.u32 $0x6000, s5  }
0x3: {  	s13 =	rddreg [dreg:$0x2];
	s11 =	smul.u32 $0x300, s5  }
0x4: {  	s7 =	simm.s32 $0x0;
	s0 =	sand.u32 $0x1, s0;
	s18 =	smul.u32 $0x18000, s5  }
0x5: {  	s31 =	simm.s32 $0x3;
	s1 =	sshll.u32 s5, $0x1;
	s10 =	smul.u32 $0x3000, s0  }
0x6: {  	[smem:$0x7FF] =	sst s7;
	s1 =	sor.u32 s0, s1;
	s17 =	smul.u32 $0x180, s0  }
0x7: {  	s3 =	ssub.s32 $0x2, s0;
	s4 =	smul.u32 $0x180, s1;
	s19 =	sadd.s32 s10, s9  }
0x8: {  	_ =	strace $0x80000047;
	s20 =	sadd.s32 s17, s11;
	[dreg:$0x8] =	wrdreg s19  }
0x9: {  	s8 =	sshrl.u32 s3, $0x1;
	s12 =	sor.u32 $0x40, s4;
	[dreg:$0x9] =	wrdreg s20  }
0xa: {  	s3 =	ssub.s32 s3, s8;
	s16 =	sor.u32 $0x50, s4;
	[dreg:$0x5] =	wrdreg s12  }
0xb: {  	s6 =	smul.u32 $0x60000, s1;
	s3 =	smax.u32 s3, $0x1;
	[dreg:$0x6] =	wrdreg s16  }
0xc: {  	s1 =	smul.u32 $0xC000, s1;
	s21 =	sor.u32 $0x10, s19;
	[dreg:$0x7] =	wrdreg s3  }
0xd: {  	s0 =	smul.u32 $0xC000, s0;
	s23 =	sor.u32 $0x10, s20;
	[dreg:$0xb] =	wrdreg s21  }
0xe: {  	s1 =	sadd.s32 s1, s13;
	s25 =	sor.u32 $0x210, s19;
	[dreg:$0xc] =	wrdreg s23  }
0xf: {  	s22 =	sshll.u32 s20, $0x7;
	s28 =	sor.u32 $0x40, s20;
	[dreg:$0xd] =	wrdreg s25  }
0x10: {  	s1 =	sadd.s32 $0x800, s1;
	s24 =	sadd.s32 s22, s2;
	[dreg:$0x10] =	wrdreg s28  }
.Ltmp0:
0x11: {  	[dreg:$0xa] =	wrdreg s1;
	s26 =	sadd.s32 $0x1000, s24;
	(pc) =	sbr.rel .LBB2_1-.Ltmp0, $4  }
0x12: {  	s16 =	sadd.s32 s0, s18;
	s0 =	sadd.s32 $0x1800, s24;
	[dreg:$0xe] =	wrdreg s26  }
0x13: {  	s8 =	sshll.u32 s5, $0x8;
	s29 =	sor.u32 $0x2000, s16;
	[dreg:$0xf] =	wrdreg s0  }
0x14: {  	v0 =	vlaneseq.u32;
	s5 =	simm.s32 $0x0;
	s30 =	sor.u32 $0x2800, s16;
	[dreg:$0x11] =	wrdreg s29  }
0x15: {  	v0 =	vand.u32 $0x3, v0;
	s18 =	sor.u32 $0x800, s16;
	[dreg:$0x12] =	wrdreg s30;
	s0 =	simm.s32 $0x4  }
.LBB2_19:
0x16: {  	s1 =	simm.s32 $0x5  }
0x17: {  	_ =	swait.ge [sflag:s1], $0x4000  }
0x18: {  	[sflag:s1] =	ssyncset.done $0x0  }
0x19: {  	s28 =	simm.s32 $0x6;
	[sflag:s1] =	ssyncadd.s32 $0xFFFFC000  }
0x1a: {  	_ =	swait.ge [sflag:s28], $0x4000  }
0x1b: {  	[sflag:s28] =	ssyncset.done $0x0  }
0x1c: {  	s29 =	simm.s32 $0x7;
	[sflag:s28] =	ssyncadd.s32 $0xFFFFC000  }
0x1d: {  	_ =	swait.ge [sflag:s29], $0x4000  }
0x1e: {  	[sflag:s29] =	ssyncset.done $0x0  }
0x1f: {  	s3 =	simm.s32 $0x8;
	[sflag:s29] =	ssyncadd.s32 $0xFFFFC000  }
0x20: {  	_ =	swait.ge [sflag:s3], $0x4000  }
0x21: {  	s5 =	rddreg [dreg:$0x13]  }
0x22: {  	s30 =	rddreg [dreg:$0x7];
	s5 =	sadd.s32 $0x1, s5  }
0x23: {  	p0 =	sne.s32 s5, s30  }
.Ltmp1:
0x24: {  	_ = 	snop;
	(pc) =	sbr.rel @!p0 .LBB2_20-.Ltmp1, $3  }
0x25: {  	_ =	sdelay $0x1  }
0x26: {  	[sflag:s3] =	ssyncset.done $0x0  }
0x27: {  	[sflag:s3] =	ssyncadd.s32 $0xFFFFC000  }
.LBB2_1:
0x28: {  	s23 =	rddreg [dreg:$0x9]  }
0x29: {  	s1 =	sand.u32 $0x8F, s23  }
0x2a: {  	p1 =	por $0x0, $0x0;
	p0 =	seq.s32 s1, $0x0  }
0x2b: {  	p0 =	por !p1, !p0  }
0x2c: {  	s3 =	simm.s32 $0xFFFFFFFF;
	p0 =	por !p0, !p0  }
0x2d: {  	s3 =	simm.s32 @!p0 $0x0  }
0x2e: {  	s3 =	sshll.u32 s3, $0x4  }
0x2f: {  	s1 =	sadd.s32 s1, s3  }
0x30: {  	s1 =	sand.u32 $0xFFFFFFF0, s1  }
0x31: {  	s24 =	sand.u32 $0xC, s7;
	s1 =	sadd.s32 s8, s1  }
0x32: {  	[dreg:$0x13] =	wrdreg s5;
	s1 =	sor.u32 s24, s1  }
0x33: {  	s25 =	rddreg [dreg:$0x1];
	s26 =	simm.s32 $0x9;
	v1 =	vor.u32 s1, v0  }
0x34: {  	[tilespmem:s7], [sflag:$0x9] =	stream.linear.gather [hbm4b:s25+s7], $0x1000, $0x38;
	[tilespmem:$0x11800] =	vst v63  }
0x35: {  	_ =	swait.ge [sflag:s26], $0x1000  }
0x36: {  	[sflag:s26] =	ssyncset.done $0x0  }
0x37: {  	[sflag:s26] =	ssyncadd.s32 $0xFFFFF000  }
0x38: {  	v1 =	vld.idx.msk [tilespmem:v1+s7+$0x0], $0xffff;
	_ =	sdelay $0x4  }
0x39: {  	v2 =	vsub.s32 $0x0, v1  }
0x3a: {  	v2 =	vmin.u32 v1, v2  }
0x3b: {  	v2 =	vxor.u32 $0x80000000, v2  }
0x3c: {  	(xrf0) =	vmax.scan.msk.u32 $0xffff, v2;
	_ =	sdelay $0x5  }
0x3d: {  	v2, _, _ =	vpop (xrf0)  }
0x3e: {  	(v2sf) =	vpush v2, $0xF;
	_ =	sdelay $0x6  }
0x3f: {  	s9 =	sadd.s32 $0x1, s23  }
0x40: {  	s28 =	sand.u32 $0x8F, s9  }
0x41: {  	p6 =	por $0x1, $0x1;
	p5 =	seq.s32 s28, $0x0  }
0x42: {  	p0 =	por !p6, !p5  }
0x43: {  	p0 =	por !p0, !p0;
	s3 =	simm.s32 $0xFFFFFFFF  }
0x44: {  	s3 =	simm.s32 @!p0 $0x0  }
0x45: {  	s3 =	sshll.u32 s3, $0x4  }
0x46: {  	s12 =	simm.s32 $0x80;
	s1 =	sadd.s32 s28, s3  }
0x47: {  	s29 =	sand.u32 $0xFFFFFFF0, s1;
	s1 =	simm.s32 $0x4;
	s10 =	spop (v2sf)  }
0x48: {  	s5 =	rddreg [dreg:$0xb];
	s11 =	sand.u32 $0xC, s1;
	p1 =	sne.s32 s10, $0x80000000  }
0x49: {  	s10 =	sadd.s32 s8, s29;
	s3 =	sadd.s32 @p1 $0xFFFFFFF0, s5;
	v2 =	vlaneseq.u32 @p1;
	v3 =	vadd.s32 @p1 s5, v1;
	s13 =	sadd.s32 @!p1 $0x0, s16  }
0x4a: {  	s14 =	simm.s32 @p1 $0x1000;
	s15 =	simm.s32 @p1 $0x20;
	v1 =	vadd.s32 @p1 s3, v1;
	s3 =	simm.s32 @p1 $0x0;
	v3 =	vadd.s32 @p1 v2, v3  }
0x4b: {  	s30 =	sor.u32 s11, s10;
	s19 =	simm.s32 @!p1 $0x0;
	s10 =	simm.s32 $0x1800;
	v1 =	vadd.s32 @p1 v2, v1;
	[tilespmem:s3+$0x1010] =	vst @p1 v3  }
0x4c: {  	s17 =	sand.u32 @!p1 $0x1FFFC780, s13;
	s13 =	simm.s32 $0x100;
	[tilespmem:s3+$0x1000] =	vst @p1 v1;
	s3 =	simm.s32 $0x1800  }
0x4d: {  	v1 =	vor.u32 s30, v0;
	[tilespmem:s3], [sflag:$0x1] =	stream.indirect.gather @p1 [hbm4b:s2+s15], $0x20, s14, s15, $0xb8;
	[tilespmem:$0x11800] =	vst v63  }
0x4e: {  	s17 =	sadd.s32 @!p1 s2, s17;
	s3 =	smov.u32 s5;
	s15 =	simm.s32 $0x1800  }
.LBB2_2:
0x4f: {  	s10 =	sadd.s32 $0x400, s10  }
0x50: {  	s3 =	sadd.s32 $0x20, s3;
	s11 =	smov.u32 s13;
	s13 =	sadd.s32 $0x80, s13  }
0x51: {  	[tilespmem:s15], [sflag:$0x1] =	stream.linear.gather @!p1 [hbm4b:s17+s19], $0x400, $0x38;
	[tilespmem:$0x11800] =	vst v63  }
0x52: {  	p0 =	sne.s32 s13, $0x800;
	s15 =	smov.u32 s10;
	v2 =	vld.idx.msk [tilespmem:v1+s7+$0x0], $0xffff;
	_ =	sdelay $0x5  }
0x53: {  	v1 =	vsub.s32 $0x0, v2  }
0x54: {  	v1 =	vmin.u32 v2, v1  }
0x55: {  	v1 =	vxor.u32 $0x80000000, v1  }
0x56: {  	(xrf0) =	vmax.scan.msk.u32 $0xffff, v1;
	_ =	sdelay $0x5  }
0x57: {  	v1, _, _ =	vpop (xrf0)  }
0x58: {  	(v2sf) =	vpush v1, $0xF;
	_ =	sdelay $0x6  }
0x59: {  	s9 =	sadd.s32 $0x1, s9  }
0x5a: {  	s14 =	sand.u32 $0x8F, s9  }
0x5b: {  	p2 =	sne.s32 s11, $0x0;
	p1 =	seq.s32 s14, $0x0  }
0x5c: {  	p1 =	por !p2, !p1  }
0x5d: {  	s17 =	simm.s32 $0xFFFFFFFF;
	p1 =	por !p1, !p1  }
0x5e: {  	s17 =	simm.s32 @!p1 $0x0  }
0x5f: {  	s17 =	sshll.u32 s17, $0x4  }
0x60: {  	s14 =	sadd.s32 s14, s17  }
0x61: {  	s1 =	sadd.s32 $0x4, s1;
	s14 =	sand.u32 $0xFFFFFFF0, s14;
	s17 =	spop (v2sf)  }
0x62: {  	s19 =	sand.u32 $0xC, s1;
	s14 =	sadd.s32 s8, s14;
	p1 =	sne.s32 s17, $0x80000000  }
.Ltmp2:
0x63: {  	s14 =	sor.u32 s19, s14;
	s17 =	sadd.s32 @p1 $0xFFFFFFF0, s3;
	v3 =	vlaneseq.u32 @p1;
	v4 =	vadd.s32 @p1 s3, v2;
	(pc) =	sbr.rel @p0 .LBB2_2-.Ltmp2, $4  }
0x64: {  	v1 =	vor.u32 s14, v0;
	s14 =	sshra.s32 @p1 s12, $0x2;
	v2 =	vadd.s32 @p1 s17, v2;
	v4 =	vadd.s32 @p1 v3, v4;
	s17 =	sadd.s32 @!p1 s12, s16;
	s12 =	smov.u32 s11  }
0x65: {  	s20 =	simm.s32 @p1 $0x20;
	s11 =	sadd.s32 @p1 $0x1000, s14;
	v2 =	vadd.s32 @p1 v3, v2;
	[tilespmem:s14+$0x1010] =	vst @p1 v4;
	s17 =	sand.u32 @!p1 $0x1FFFC780, s17  }
0x66: {  	s19 =	simm.s32 @!p1 $0x0;
	[tilespmem:s14+$0x1000] =	vst @p1 v2;
	s17 =	sadd.s32 @!p1 s2, s17  }
0x67: {  	[tilespmem:s10], [sflag:$0x1] =	stream.indirect.gather @p1 [hbm4b:s2+s20], $0x20, s11, s20, $0xb8;
	[tilespmem:$0x11800] =	vst v63  }
0x68: {  	_ =	sdelay $0x2  }
0x69: {  	[tilespmem:s15], [sflag:$0x1] =	stream.linear.gather @!p1 [hbm4b:s17+s19], $0x400, $0x38;
	[tilespmem:$0x11800] =	vst v63  }
0x6a: {  	v1 =	vld.idx.msk [tilespmem:v1+s7+$0x0], $0xffff;
	_ =	sdelay $0x4  }
0x6b: {  	v2 =	vsub.s32 $0x0, v1  }
0x6c: {  	v2 =	vmin.u32 v1, v2  }
0x6d: {  	v2 =	vxor.u32 $0x80000000, v2  }
0x6e: {  	(xrf0) =	vmax.scan.msk.u32 $0xffff, v2;
	_ =	sdelay $0x5  }
0x6f: {  	v2, _, _ =	vpop (xrf0)  }
0x70: {  	(v2sf) =	vpush v2, $0xF;
	_ =	sdelay $0xd  }
0x71: {  	s1 =	sadd.s32 $0x20, s3  }
0x72: {  	s24 =	simm.s32 $0x0;
	s5 =	rddreg [dreg:$0xc];
	s22 =	spop (v2sf)  }
0x73: {  	s23 =	sand.u32 $0x90, s5;
	s9 =	sand.u32 $0xC, s24;
	p0 =	sne.s32 s22, $0x80000000  }
0x74: {  	s25 =	sor.u32 s9, s23;
	s11 =	sadd.s32 @p0 $0xFFFFFFF0, s1;
	v2 =	vlaneseq.u32 @p0;
	v3 =	vadd.s32 @p0 s1, v1  }
0x75: {  	s3 =	sshra.s32 @p0 s12, $0x2;
	s1 =	sor.u32 s8, s25;
	v1 =	vadd.s32 @p0 s11, v1;
	v3 =	vadd.s32 @p0 v2, v3  }
0x76: {  	s9 =	sadd.s32 $0x400, s10;
	s10 =	sadd.s32 @!p0 s12, s16;
	v1 =	vadd.s32 @p0 v2, v1;
	[tilespmem:s3+$0x1010] =	vst @p0 v3;
	v2 =	vor.u32 s1, v0  }
0x77: {  	s11 =	simm.s32 @p0 $0x20;
	s10 =	sand.u32 @!p0 $0x1FFFC780, s10;
	s1 =	sadd.s32 @p0 $0x1000, s3;
	[tilespmem:s3+$0x1000] =	vst @p0 v1  }
0x78: {  	[tilespmem:s9], [sflag:$0x1] =	stream.indirect.gather @p0 [hbm4b:s2+s11], $0x20, s1, s11, $0xb8;
	[tilespmem:$0x11800] =	vst v63  }
0x79: {  	s3 =	simm.s32 @!p0 $0x0;
	s1 =	sadd.s32 @!p0 s2, s10  }
0x7a: {  	[tilespmem:s9], [sflag:$0x1] =	stream.linear.gather @!p0 [hbm4b:s1+s3], $0x400, $0x38;
	[tilespmem:$0x11800] =	vst v63  }
0x7b: {  	v1 =	vld.idx.msk [tilespmem:v2+s7+$0x0], $0xffff;
	_ =	sdelay $0x4  }
0x7c: {  	v2 =	vsub.s32 $0x0, v1  }
0x7d: {  	v2 =	vmin.u32 v1, v2  }
0x7e: {  	v2 =	vxor.u32 $0x80000000, v2  }
0x7f: {  	(xrf0) =	vmax.scan.msk.u32 $0xffff, v2;
	_ =	sdelay $0x5  }
0x80: {  	v2, _, _ =	vpop (xrf0)  }
0x81: {  	(v2sf) =	vpush v2, $0xF;
	_ =	sdelay $0xd  }
0x82: {  	s13 =	simm.s32 $0x80  }
0x83: {  	s15 =	simm.s32 $0x100;
	s12 =	simm.s32 $0x4;
	s26 =	spop (v2sf)  }
0x84: {  	s9 =	sadd.s32 $0x1, s5;
	s5 =	rddreg [dreg:$0xd];
	p1 =	sne.s32 s26, $0x80000000  }
0x85: {  	s29 =	sand.u32 $0xC, s12;
	s28 =	sand.u32 $0x90, s9;
	s1 =	sadd.s32 @p1 $0xFFFFFFF0, s5;
	v2 =	vlaneseq.u32 @p1;
	v3 =	vadd.s32 @p1 s5, v1  }
0x86: {  	s10 =	simm.s32 $0x5800;
	s3 =	sor.u32 s29, s28;
	v1 =	vadd.s32 @p1 s1, v1;
	s1 =	simm.s32 @p1 $0x0;
	v3 =	vadd.s32 @p1 v2, v3  }
0x87: {  	s30 =	sor.u32 s8, s3;
	s3 =	sadd.s32 $0x20, s5;
	s14 =	sadd.s32 @!p1 $0x0, s18;
	v1 =	vadd.s32 @p1 v2, v1;
	[tilespmem:s1+$0x1210] =	vst @p1 v3  }
0x88: {  	s11 =	sand.u32 @!p1 $0x1FFFCF80, s14;
	s14 =	simm.s32 @p1 $0x1200;
	[tilespmem:s1+$0x1200] =	vst @p1 v1;
	s1 =	simm.s32 @p1 $0x20;
	v1 =	vor.u32 s30, v0  }
0x89: {  	[tilespmem:s10], [sflag:$0x2] =	stream.indirect.gather @p1 [hbm4b:s2+s1], $0x20, s14, s1, $0xb8;
	[tilespmem:$0x11800] =	vst v63  }
0x8a: {  	s17 =	sadd.s32 @!p1 s2, s11;
	s11 =	simm.s32 @!p1 $0x0;
	s1 =	simm.s32 $0x5C00  }
.LBB2_4:
0x8b: {  	[tilespmem:s10], [sflag:$0x2] =	stream.linear.gather @!p1 [hbm4b:s17+s11], $0x400, $0x38;
	[tilespmem:$0x11800] =	vst v63  }
0x8c: {  	s11 =	smov.u32 s15;
	s15 =	sadd.s32 $0x80, s15;
	s10 =	smov.u32 s1  }
0x8d: {  	p0 =	sne.s32 s15, $0x800;
	v1 =	vld.idx.msk [tilespmem:v1+s7+$0x0], $0xffff;
	_ =	sdelay $0x5  }
0x8e: {  	v2 =	vsub.s32 $0x0, v1  }
0x8f: {  	v2 =	vmin.u32 v1, v2  }
0x90: {  	v2 =	vxor.u32 $0x80000000, v2  }
0x91: {  	(xrf0) =	vmax.scan.msk.u32 $0xffff, v2;
	_ =	sdelay $0x5  }
0x92: {  	v2, _, _ =	vpop (xrf0)  }
0x93: {  	(v2sf) =	vpush v2, $0xF;
	_ =	sdelay $0xe  }
0x94: {  	s9 =	sadd.s32 $0x1, s9;
	s12 =	sadd.s32 $0x4, s12;
	s14 =	spop (v2sf)  }
0x95: {  	s17 =	sand.u32 $0x90, s9;
	p1 =	sne.s32 s14, $0x80000000;
	s14 =	sand.u32 $0xC, s12  }
0x96: {  	s19 =	sadd.s32 @p1 $0xFFFFFFF0, s3;
	v2 =	vlaneseq.u32 @p1;
	v3 =	vadd.s32 @p1 s3, v1;
	s20 =	sadd.s32 @!p1 s13, s18;
	s14 =	sor.u32 s14, s17  }
.Ltmp3:
0x97: {  	s13 =	sshra.s32 @p1 s13, $0x2;
	v1 =	vadd.s32 @p1 s19, v1;
	v3 =	vadd.s32 @p1 v2, v3;
	s17 =	sand.u32 @!p1 $0x1FFFCF80, s20;
	(pc) =	sbr.rel @p0 .LBB2_4-.Ltmp3, $4  }
0x98: {  	s14 =	sor.u32 s8, s14;
	s19 =	sadd.s32 @p1 $0x1200, s13;
	v2 =	vadd.s32 @p1 v2, v1;
	[tilespmem:s13+$0x1210] =	vst @p1 v3;
	s17 =	sadd.s32 @!p1 s2, s17  }
0x99: {  	v1 =	vor.u32 s14, v0;
	s14 =	simm.s32 @p1 $0x20;
	[tilespmem:s13+$0x1200] =	vst @p1 v2;
	s13 =	smov.u32 s11  }
0x9a: {  	[tilespmem:s1], [sflag:$0x2] =	stream.indirect.gather @p1 [hbm4b:s2+s14], $0x20, s19, s14, $0xb8;
	[tilespmem:$0x11800] =	vst v63  }
0x9b: {  	s3 =	sadd.s32 $0x20, s3;
	s11 =	simm.s32 @!p1 $0x0;
	s1 =	sadd.s32 $0x400, s1  }
0x9c: {  	_ =	sdelay $0x2  }
0x9d: {  	[tilespmem:s10], [sflag:$0x2] =	stream.linear.gather @!p1 [hbm4b:s17+s11], $0x400, $0x38;
	[tilespmem:$0x11800] =	vst v63  }
0x9e: {  	v1 =	vld.idx.msk [tilespmem:v1+s7+$0x0], $0xffff;
	_ =	sdelay $0x4  }
0x9f: {  	v2 =	vsub.s32 $0x0, v1  }
0xa0: {  	v2 =	vmin.u32 v1, v2  }
0xa1: {  	v2 =	vxor.u32 $0x80000000, v2  }
0xa2: {  	(xrf0) =	vmax.scan.msk.u32 $0xffff, v2;
	_ =	sdelay $0x5  }
0xa3: {  	v2, _, _ =	vpop (xrf0)  }
0xa4: {  	(v2sf) =	vpush v2, $0xF;
	_ =	sdelay $0xe  }
0xa5: {  	s12 =	rddreg [dreg:$0x12];
	s9 =	spop (v2sf)  }
0xa6: {  	s25 =	rddreg [dreg:$0x11];
	p0 =	sne.s32 s9, $0x80000000  }
0xa7: {  	s21 =	rddreg [dreg:$0x10];
	s9 =	sadd.s32 @p0 $0xFFFFFFF0, s3;
	v2 =	vlaneseq.u32 @p0;
	v3 =	vadd.s32 @p0 s3, v1  }
0xa8: {  	s22 =	rddreg [dreg:$0xf];
	s3 =	sshra.s32 @p0 s13, $0x2;
	v1 =	vadd.s32 @p0 s9, v1;
	v3 =	vadd.s32 @p0 v2, v3  }
.Ltmp4:
0xa9: {  	s17 =	rddreg [dreg:$0xe];
	s9 =	sadd.s32 @!p0 s13, s18;
	v1 =	vadd.s32 @p0 v2, v1;
	[tilespmem:s3+$0x1210] =	vst @p0 v3;
	(pc) =	sbr.rel .LBB2_6-.Ltmp4, $4  }
0xaa: {  	s10 =	sadd.s32 @p0 $0x1200, s3;
	s9 =	sand.u32 @!p0 $0x1FFFCF80, s9;
	[tilespmem:s3+$0x1200] =	vst @p0 v1;
	s3 =	simm.s32 @p0 $0x20  }
0xab: {  	[tilespmem:s1], [sflag:$0x2] =	stream.indirect.gather @p0 [hbm4b:s2+s3], $0x20, s10, s3, $0xb8;
	[tilespmem:$0x11800] =	vst v63  }
0xac: {  	s13 =	rddreg [dreg:$0x8];
	s3 =	sadd.s32 @!p0 s2, s9;
	s9 =	simm.s32 @!p0 $0x0  }
0xad: {  	[tilespmem:s1], [sflag:$0x2] =	stream.linear.gather @!p0 [hbm4b:s3+s9], $0x400, $0x38;
	[tilespmem:$0x11800] =	vst v63  }
.LBB2_18:
0xae: {  	s1 =	sshll.u32 s19, $0xE;
	_ =	swait.ge [sflag:s0], $0x4000;
	s24 =	sadd.s32 $0x1, s24  }
0xaf: {  	s30 =	simm.s32 $0xD800;
	s13 =	sadd.s32 $0x800, s13;
	p0 =	sne.s32 s24, $0x6  }
.Ltmp5:
0xb0: {  	s17 =	sadd.s32 $0x2000, s17;
	[sflag:s0] =	ssyncset.done $0x0;
	(pc) =	sbr.rel @!p0 .LBB2_19-.Ltmp5, $4  }
0xb1: {  	s22 =	sadd.s32 $0x2000, s22;
	s1 =	sadd.s32 s6, s1;
	[sflag:s0] =	ssyncadd.s32 $0xFFFFC000  }
0xb2: {  	s21 =	sadd.s32 $0x40, s21;
	s1 =	sshrl.u32 s1, $0x3;
	s3 =	rddreg [dreg:$0x2]  }
0xb3: {  	s25 =	sadd.s32 $0x2000, s25;
	s12 =	sadd.s32 $0x2000, s12;
	s1 =	sadd.s32 s3, s1  }
0xb4: {  	[hbm4b:s1+s7] =	stream.linear.scatter [tilespmem:s30], [sflag:$0x8], $0x4000, $0x38;
	[tilespmem:$0x11800] =	vst v63  }
.LBB2_6:
0xb5: {  	s19 =	sshll.u32 s24, $0x2  }
0xb6: {  	s15 =	sor.u32 $0x2, s19  }
0xb7: {  	s1 =	sshll.u32 s15, $0x4  }
0xb8: {  	s1 =	sadd.s32 s4, s1  }
0xb9: {  	s3 =	smulhi.u32 $0x2AAAAAAB, s1;
	_ =	sdelay $0x1  }
0xba: {  	s3 =	sshll.u32 s3, $0x1  }
0xbb: {  	s10 =	simm.s32 $0x0;
	s1 =	sand.u32 $0xE0, s1;
	s3 =	sand.u32 $0x3FFFFF00, s3  }
0xbc: {  	s14 =	sand.u32 $0xC, s10;
	s9 =	sor.u32 s1, s3  }
0xbd: {  	s20 =	sadd.s32 $0xFFFFFFFC, s19;
	s1 =	sor.u32 s9, s14  }
0xbe: {  	p0 =	sgt.u32 s20, $0x13;
	v1 =	vor.u32 s1, v0  }
0xbf: {  	s1 =	simm.s32 @!p0 $0x7  }
0xc0: {  	_ =	swait.ge @!p0 [sflag:s1], $0x4000  }
0xc1: {  	[sflag:s1] =	ssyncset.done @!p0 $0x0  }
0xc2: {  	[sflag:s1] =	ssyncadd.s32 @!p0 $0xFFFFC000  }
0xc3: {  	v1 =	vld.idx.msk [tilespmem:v1+s7+$0x0], $0xffff;
	_ =	sdelay $0x4  }
0xc4: {  	v2 =	vsub.s32 $0x0, v1  }
0xc5: {  	v2 =	vmin.u32 v1, v2  }
0xc6: {  	v2 =	vxor.u32 $0x80000000, v2  }
0xc7: {  	(xrf0) =	vmax.scan.msk.u32 $0xffff, v2;
	_ =	sdelay $0x5  }
0xc8: {  	v2, _, _ =	vpop (xrf0)  }
0xc9: {  	(v2sf) =	vpush v2, $0xF;
	_ =	sdelay $0xe  }
0xca: {  	s23 =	spop (v2sf)  }
0xcb: {  	p0 =	sne.s32 s23, $0x80000000  }
0xcc: {  	s1 =	sadd.s32 @p0 $0xFFFFFE00, s13  }
0xcd: {  	s26 =	simm.s32 $0x4;
	s10 =	sadd.s32 @p0 $0x600, s1  }
0xce: {  	s3 =	sand.u32 $0xC, s26;
	v2 =	vlaneseq.u32 @p0;
	s1 =	sadd.s32 @p0 $0x610, s1;
	v3 =	vadd.s32 @p0 s10, v1  }
0xcf: {  	s3 =	sor.u32 s9, s3;
	s11 =	simm.s32 @p0 $0x0;
	v1 =	vadd.s32 @p0 s1, v1;
	v3 =	vadd.s32 @p0 v2, v3  }
0xd0: {  	v4 =	vor.u32 s3, v0;
	v1 =	vadd.s32 @p0 v2, v1;
	[tilespmem:s11+$0x1400] =	vst @p0 v3  }
0xd1: {  	s3 =	simm.s32 @p0 $0x1400;
	s10 =	simm.s32 $0x9800;
	s1 =	simm.s32 @p0 $0x20;
	[tilespmem:s11+$0x1410] =	vst @p0 v1  }
0xd2: {  	[tilespmem:s10], [sflag:$0x3] =	stream.indirect.gather @p0 [hbm4b:s2+s1], $0x20, s3, s1, $0xb8;
	[tilespmem:$0x11800] =	vst v63  }
0xd3: {  	s1 =	simm.s32 @!p0 $0x0;
	s3 =	sadd.s32 @!p0 $0x0, s17  }
0xd4: {  	[tilespmem:s10], [sflag:$0x3] =	stream.linear.gather @!p0 [hbm4b:s3+s1], $0x400, $0x38;
	[tilespmem:$0x11800] =	vst v63  }
0xd5: {  	v1 =	vld.idx.msk [tilespmem:v4+s7+$0x0], $0xffff;
	_ =	sdelay $0x4  }
0xd6: {  	v2 =	vsub.s32 $0x0, v1  }
0xd7: {  	v2 =	vmin.u32 v1, v2  }
0xd8: {  	v2 =	vxor.u32 $0x80000000, v2  }
0xd9: {  	(xrf0) =	vmax.scan.msk.u32 $0xffff, v2;
	_ =	sdelay $0x5  }
0xda: {  	v2, _, _ =	vpop (xrf0)  }
0xdb: {  	(v2sf) =	vpush v2, $0xF;
	_ =	sdelay $0xe  }
0xdc: {  	s23 =	simm.s32 $0xFFFFFE20;
	s11 =	simm.s32 $0x8;
	s29 =	spop (v2sf)  }
0xdd: {  	s1 =	simm.s32 $0x80;
	s3 =	simm.s32 $0x100;
	p1 =	sne.s32 s29, $0x80000000  }
0xde: {  	s20 =	sadd.s32 @p1 $0xFFFFFE20, s13;
	s30 =	simm.s32 @p1 $0x20;
	s28 =	simm.s32 @!p1 $0x0  }
.LBB2_7:
0xdf: {  	s14 =	sand.u32 $0xC, s11  }
0xe0: {  	s5 =	sadd.s32 @p1 $0x600, s20;
	s26 =	sadd.s32 @!p1 s1, s17;
	s29 =	smov.u32 s3  }
0xe1: {  	s3 =	sadd.s32 $0x80, s3;
	v2 =	vlaneseq.u32 @p1;
	s14 =	sor.u32 s9, s14;
	v3 =	vadd.s32 @p1 s5, v1;
	s5 =	sadd.s32 @p1 $0x610, s20  }
0xe2: {  	p0 =	sne.s32 s3, $0x800;
	v4 =	vor.u32 s14, v0;
	v3 =	vadd.s32 @p1 v2, v3;
	s14 =	sshra.s32 @p1 s1, $0x2;
	v1 =	vadd.s32 @p1 s5, v1;
	s1 =	smov.u32 s29  }
0xe3: {  	s10 =	sadd.s32 $0x400, s10;
	s5 =	sadd.s32 @p1 $0x1400, s14;
	[tilespmem:s14+$0x1400] =	vst @p1 v3;
	v1 =	vadd.s32 @p1 v2, v1  }
0xe4: {  	[tilespmem:s14+$0x1410] =	vst @p1 v1  }
0xe5: {  	[tilespmem:s10], [sflag:$0x3] =	stream.indirect.gather @p1 [hbm4b:s2+s30], $0x20, s5, s30, $0xb8;
	[tilespmem:$0x11800] =	vst v63  }
0xe6: {  	_ = 	snop  }
0xe7: {  	[tilespmem:s10], [sflag:$0x3] =	stream.linear.gather @!p1 [hbm4b:s26+s28], $0x400, $0x38;
	[tilespmem:$0x11800] =	vst v63  }
0xe8: {  	v1 =	vld.idx.msk [tilespmem:v4+s7+$0x0], $0xffff;
	_ =	sdelay $0x5  }
0xe9: {  	v2 =	vsub.s32 $0x0, v1  }
0xea: {  	v2 =	vmin.u32 v1, v2  }
0xeb: {  	v2 =	vxor.u32 $0x80000000, v2  }
0xec: {  	(xrf0) =	vmax.scan.msk.u32 $0xffff, v2;
	_ =	sdelay $0x5  }
0xed: {  	v2, _, _ =	vpop (xrf0)  }
0xee: {  	(v2sf) =	vpush v2, $0xF;
	_ =	sdelay $0xc  }
.Ltmp6:
0xef: {  	(pc) =	sbr.rel @p0 .LBB2_7-.Ltmp6, $4  }
0xf0: {  	_ = 	snop  }
0xf1: {  	s5 =	spop (v2sf)  }
0xf2: {  	s11 =	sadd.s32 $0x4, s11;
	s23 =	sadd.s32 $0x20, s23;
	p1 =	sne.s32 s5, $0x80000000  }
0xf3: {  	s20 =	sadd.s32 @p1 s23, s13;
	s30 =	simm.s32 @p1 $0x20;
	s28 =	simm.s32 @!p1 $0x0  }
0xf4: {  	s3 =	sadd.s32 @p1 $0x600, s20  }
0xf5: {  	v2 =	vlaneseq.u32 @p1;
	v3 =	vadd.s32 @p1 s3, v1;
	s3 =	sadd.s32 @p1 $0x610, s20  }
0xf6: {  	s5 =	sshra.s32 @p1 s1, $0x2;
	v3 =	vadd.s32 @p1 v2, v3;
	v1 =	vadd.s32 @p1 s3, v1  }
0xf7: {  	[tilespmem:s5+$0x1400] =	vst @p1 v3;
	v1 =	vadd.s32 @p1 v2, v1  }
0xf8: {  	s9 =	sadd.s32 $0x400, s10;
	s3 =	sadd.s32 @p1 $0x1400, s5;
	[tilespmem:s5+$0x1410] =	vst @p1 v1  }
0xf9: {  	[tilespmem:s9], [sflag:$0x3] =	stream.indirect.gather @p1 [hbm4b:s2+s30], $0x20, s3, s30, $0xb8;
	[tilespmem:$0x11800] =	vst v63  }
0xfa: {  	s1 =	sadd.s32 @!p1 s1, s17;
	s19 =	sor.u32 $0x3, s19;
	s23 =	simm.s32 $0x1  }
0xfb: {  	[tilespmem:s9], [sflag:$0x3] =	stream.linear.gather @!p1 [hbm4b:s1+s28], $0x400, $0x38;
	[tilespmem:$0x11800] =	vst v63  }
0xfc: {  	s26 =	sshll.u32 s19, $0x4;
	_ =	swait.ge [sflag:s23], $0x4000  }
0xfd: {  	s20 =	sshll.u32 s24, $0x10;
	s3 =	sadd.s32 s4, s26;
	[sflag:s23] =	ssyncset.done $0x0  }
0xfe: {  	s29 =	smulhi.u32 $0x2AAAAAAB, s3;
	s1 =	sadd.s32 s6, s20;
	[sflag:s23] =	ssyncadd.s32 $0xFFFFC000  }
0xff: {  	s1 =	sshrl.u32 s1, $0x3;
	s5 =	rddreg [dreg:$0x2]  }
0x100: {  	s10 =	simm.s32 $0x1800;
	s11 =	sshll.u32 s29, $0x1;
	s1 =	sadd.s32 s5, s1  }
0x101: {  	[hbm4b:s1+s7] =	stream.linear.scatter [tilespmem:s10], [sflag:$0x5], $0x4000, $0x38;
	[tilespmem:$0x11800] =	vst v63  }
0x102: {  	s14 =	simm.s32 $0x0;
	s3 =	sand.u32 $0xF0, s3;
	s1 =	sand.u32 $0x3FFFFF00, s11  }
0x103: {  	s20 =	sand.u32 $0xC, s14;
	s9 =	sor.u32 s3, s1  }
0x104: {  	s1 =	sor.u32 s9, s20  }
0x105: {  	p0 =	seq.s32 s24, $0x0;
	v1 =	vor.u32 s1, v0  }
0x106: {  	s1 =	simm.s32 @!p0 $0x8  }
0x107: {  	_ =	swait.ge @!p0 [sflag:s1], $0x4000  }
0x108: {  	[sflag:s1] =	ssyncset.done @!p0 $0x0  }
0x109: {  	[sflag:s1] =	ssyncadd.s32 @!p0 $0xFFFFC000  }
0x10a: {  	v1 =	vld.idx.msk [tilespmem:v1+s7+$0x0], $0xffff;
	_ =	sdelay $0x4  }
0x10b: {  	v2 =	vsub.s32 $0x0, v1  }
0x10c: {  	v2 =	vmin.u32 v1, v2  }
0x10d: {  	v2 =	vxor.u32 $0x80000000, v2  }
0x10e: {  	(xrf0) =	vmax.scan.msk.u32 $0xffff, v2;
	_ =	sdelay $0x5  }
0x10f: {  	v2, _, _ =	vpop (xrf0)  }
0x110: {  	(v2sf) =	vpush v2, $0xF;
	_ =	sdelay $0xe  }
0x111: {  	s23 =	spop (v2sf)  }
0x112: {  	p0 =	sne.s32 s23, $0x80000000  }
0x113: {  	s1 =	sadd.s32 @p0 $0xFFFFFE00, s13  }
0x114: {  	s26 =	simm.s32 $0x4;
	s5 =	sadd.s32 @p0 $0x800, s1  }
0x115: {  	s3 =	sand.u32 $0xC, s26;
	v2 =	vlaneseq.u32 @p0;
	s1 =	sadd.s32 @p0 $0x810, s1;
	v3 =	vadd.s32 @p0 s5, v1  }
0x116: {  	s3 =	sor.u32 s9, s3;
	s5 =	simm.s32 @p0 $0x0;
	v1 =	vadd.s32 @p0 s1, v1;
	v3 =	vadd.s32 @p0 v2, v3  }
0x117: {  	v4 =	vor.u32 s3, v0;
	v1 =	vadd.s32 @p0 v2, v1;
	[tilespmem:s5+$0x1600] =	vst @p0 v3  }
0x118: {  	s10 =	simm.s32 $0xD800;
	s3 =	simm.s32 @p0 $0x1600;
	s1 =	simm.s32 @p0 $0x20;
	[tilespmem:s5+$0x1610] =	vst @p0 v1  }
0x119: {  	[tilespmem:s10], [sflag:$0x4] =	stream.indirect.gather @p0 [hbm4b:s2+s1], $0x20, s3, s1, $0xb8;
	[tilespmem:$0x11800] =	vst v63  }
0x11a: {  	s1 =	simm.s32 @!p0 $0x0;
	s3 =	sadd.s32 @!p0 $0x0, s22  }
0x11b: {  	[tilespmem:s10], [sflag:$0x4] =	stream.linear.gather @!p0 [hbm4b:s3+s1], $0x400, $0x38;
	[tilespmem:$0x11800] =	vst v63  }
0x11c: {  	v1 =	vld.idx.msk [tilespmem:v4+s7+$0x0], $0xffff;
	_ =	sdelay $0x4  }
0x11d: {  	v2 =	vsub.s32 $0x0, v1  }
0x11e: {  	v2 =	vmin.u32 v1, v2  }
0x11f: {  	v2 =	vxor.u32 $0x80000000, v2  }
0x120: {  	(xrf0) =	vmax.scan.msk.u32 $0xffff, v2;
	_ =	sdelay $0x5  }
0x121: {  	v2, _, _ =	vpop (xrf0)  }
0x122: {  	(v2sf) =	vpush v2, $0xF;
	_ =	sdelay $0xe  }
0x123: {  	s11 =	simm.s32 $0x8;
	s23 =	simm.s32 $0xFFFFFE20;
	s29 =	spop (v2sf)  }
0x124: {  	s1 =	simm.s32 $0x80;
	s3 =	simm.s32 $0x100;
	p1 =	sne.s32 s29, $0x80000000  }
0x125: {  	s20 =	sadd.s32 @p1 $0xFFFFFE20, s13;
	s30 =	simm.s32 @p1 $0x20;
	s28 =	simm.s32 @!p1 $0x0  }
.LBB2_9:
0x126: {  	s5 =	sand.u32 $0xC, s11  }
0x127: {  	s14 =	sadd.s32 @p1 $0x800, s20;
	s26 =	sadd.s32 @!p1 s1, s22;
	s29 =	smov.u32 s3  }
0x128: {  	s3 =	sadd.s32 $0x80, s3;
	v2 =	vlaneseq.u32 @p1;
	s5 =	sor.u32 s9, s5;
	v3 =	vadd.s32 @p1 s14, v1;
	s14 =	sadd.s32 @p1 $0x810, s20  }
0x129: {  	p0 =	sne.s32 s3, $0x800;
	v4 =	vor.u32 s5, v0;
	v3 =	vadd.s32 @p1 v2, v3;
	s5 =	sshra.s32 @p1 s1, $0x2;
	v1 =	vadd.s32 @p1 s14, v1;
	s1 =	smov.u32 s29  }
0x12a: {  	s10 =	sadd.s32 $0x400, s10;
	s14 =	sadd.s32 @p1 $0x1600, s5;
	[tilespmem:s5+$0x1600] =	vst @p1 v3;
	v1 =	vadd.s32 @p1 v2, v1  }
0x12b: {  	[tilespmem:s5+$0x1610] =	vst @p1 v1  }
0x12c: {  	[tilespmem:s10], [sflag:$0x4] =	stream.indirect.gather @p1 [hbm4b:s2+s30], $0x20, s14, s30, $0xb8;
	[tilespmem:$0x11800] =	vst v63  }
0x12d: {  	_ = 	snop  }
0x12e: {  	[tilespmem:s10], [sflag:$0x4] =	stream.linear.gather @!p1 [hbm4b:s26+s28], $0x400, $0x38;
	[tilespmem:$0x11800] =	vst v63  }
0x12f: {  	v1 =	vld.idx.msk [tilespmem:v4+s7+$0x0], $0xffff;
	_ =	sdelay $0x5  }
0x130: {  	v2 =	vsub.s32 $0x0, v1  }
0x131: {  	v2 =	vmin.u32 v1, v2  }
0x132: {  	v2 =	vxor.u32 $0x80000000, v2  }
0x133: {  	(xrf0) =	vmax.scan.msk.u32 $0xffff, v2;
	_ =	sdelay $0x5  }
0x134: {  	v2, _, _ =	vpop (xrf0)  }
0x135: {  	(v2sf) =	vpush v2, $0xF;
	_ =	sdelay $0xc  }
.Ltmp7:
0x136: {  	(pc) =	sbr.rel @p0 .LBB2_9-.Ltmp7, $4  }
0x137: {  	_ = 	snop  }
0x138: {  	s5 =	spop (v2sf)  }
0x139: {  	s11 =	sadd.s32 $0x4, s11;
	s23 =	sadd.s32 $0x20, s23;
	p1 =	sne.s32 s5, $0x80000000  }
0x13a: {  	s20 =	sadd.s32 @p1 s23, s13;
	s30 =	simm.s32 @p1 $0x20;
	s28 =	simm.s32 @!p1 $0x0  }
0x13b: {  	s3 =	sadd.s32 @p1 $0x800, s20  }
0x13c: {  	v2 =	vlaneseq.u32 @p1;
	v3 =	vadd.s32 @p1 s3, v1;
	s3 =	sadd.s32 @p1 $0x810, s20  }
0x13d: {  	s5 =	sshra.s32 @p1 s1, $0x2;
	v3 =	vadd.s32 @p1 v2, v3;
	v1 =	vadd.s32 @p1 s3, v1  }
0x13e: {  	[tilespmem:s5+$0x1600] =	vst @p1 v3;
	v1 =	vadd.s32 @p1 v2, v1  }
0x13f: {  	s9 =	sadd.s32 $0x400, s10;
	s3 =	sadd.s32 @p1 $0x1600, s5;
	[tilespmem:s5+$0x1610] =	vst @p1 v1  }
0x140: {  	[tilespmem:s9], [sflag:$0x4] =	stream.indirect.gather @p1 [hbm4b:s2+s30], $0x20, s3, s30, $0xb8;
	[tilespmem:$0x11800] =	vst v63  }
0x141: {  	s1 =	sadd.s32 @!p1 s1, s22;
	p0 =	seq.s32 s24, $0x5  }
0x142: {  	[tilespmem:s9], [sflag:$0x4] =	stream.linear.gather @!p1 [hbm4b:s1+s28], $0x400, $0x38;
	[tilespmem:$0x11800] =	vst v63  }
.Ltmp8:
0x143: {  	s26 =	simm.s32 $0x2;
	(pc) =	sbr.rel @p0 .LBB2_14-.Ltmp8, $4  }
0x144: {  	_ =	swait.ge [sflag:s26], $0x4000  }
0x145: {  	s28 =	sshll.u32 s24, $0xD;
	[sflag:s26] =	ssyncset.done $0x0;
	s29 =	rddreg [dreg:$0xa]  }
0x146: {  	s30 =	simm.s32 $0x5800;
	[sflag:s26] =	ssyncadd.s32 $0xFFFFC000;
	s1 =	sadd.s32 s29, s28  }
0x147: {  	[hbm4b:s1+s7] =	stream.linear.scatter [tilespmem:s30], [sflag:$0x6], $0x4000, $0x38;
	[tilespmem:$0x11800] =	vst v63  }
0x148: {  	s1 =	sshll.u32 s24, $0x6;
	s3 =	rddreg [dreg:$0x5];
	s29 =	sand.u32 $0xCF, s21  }
0x149: {  	p2 =	por $0x0, $0x0;
	s1 =	sadd.s32 s1, s3;
	p1 =	seq.s32 s29, $0x0  }
0x14a: {  	s1 =	smulhi.u32 $0x2AAAAAAB, s1;
	p1 =	por !p2, !p1  }
0x14b: {  	s5 =	simm.s32 $0xFFFFFFFF;
	p1 =	por !p1, !p1  }
0x14c: {  	s1 =	sshll.u32 s1, $0x1;
	s5 =	simm.s32 @!p1 $0x0  }
0x14d: {  	s9 =	simm.s32 $0x5;
	s1 =	sand.u32 $0x3FFFFF00, s1;
	s10 =	sshll.u32 s5, $0x4  }
0x14e: {  	_ =	swait.ge [sflag:s9], $0x4000;
	[dreg:$0x4] =	wrdreg s1;
	s1 =	sadd.s32 s29, s10  }
0x14f: {  	s14 =	simm.s32 $0x0;
	s11 =	rddreg [dreg:$0x4];
	s1 =	sand.u32 $0xFFFFFFF0, s1  }
0x150: {  	s3 =	sand.u32 $0xC, s14;
	s1 =	sadd.s32 s11, s1  }
0x151: {  	s1 =	sor.u32 s3, s1  }
0x152: {  	v1 =	vor.u32 s1, v0;
	_ =	sdelay $0x2  }
0x153: {  	[sflag:s9] =	ssyncset.done $0x0  }
0x154: {  	[sflag:s9] =	ssyncadd.s32 $0xFFFFC000  }
0x155: {  	v1 =	vld.idx.msk [tilespmem:v1+s7+$0x0], $0xffff;
	_ =	sdelay $0x4  }
0x156: {  	v2 =	vsub.s32 $0x0, v1  }
0x157: {  	v2 =	vmin.u32 v1, v2  }
0x158: {  	v2 =	vxor.u32 $0x80000000, v2  }
0x159: {  	(xrf0) =	vmax.scan.msk.u32 $0xffff, v2;
	_ =	sdelay $0x5  }
0x15a: {  	v2, _, _ =	vpop (xrf0)  }
0x15b: {  	(v2sf) =	vpush v2, $0xF;
	_ =	sdelay $0xa  }
0x15c: {  	s9 =	sadd.s32 $0x1, s21  }
0x15d: {  	s20 =	sand.u32 $0xCF, s9  }
0x15e: {  	p6 =	por $0x1, $0x1;
	p5 =	seq.s32 s20, $0x0  }
0x15f: {  	s23 =	simm.s32 $0x1800;
	p1 =	por !p6, !p5  }
0x160: {  	s5 =	simm.s32 $0xFFFFFFFF;
	p1 =	por !p1, !p1;
	s26 =	spop (v2sf)  }
0x161: {  	s30 =	simm.s32 $0x80;
	s5 =	simm.s32 @!p1 $0x0;
	p2 =	sne.s32 s26, $0x80000000  }
0x162: {  	s28 =	simm.s32 $0x1800;
	s5 =	sshll.u32 s5, $0x4;
	s3 =	sadd.s32 @p2 $0xFFFFFE00, s13  }
0x163: {  	s11 =	rddreg [dreg:$0x4];
	s1 =	sadd.s32 s20, s5;
	s14 =	sadd.s32 @p2 $0xA00, s3  }
0x164: {  	s5 =	sand.u32 $0xFFFFFFF0, s1;
	s1 =	simm.s32 $0x4;
	v2 =	vlaneseq.u32 @p2;
	s3 =	sadd.s32 @p2 $0xA10, s3;
	v3 =	vadd.s32 @p2 s14, v1  }
0x165: {  	s5 =	sadd.s32 s11, s5;
	s29 =	sand.u32 $0xC, s1;
	v1 =	vadd.s32 @p2 s3, v1;
	s3 =	simm.s32 @p2 $0x0;
	v3 =	vadd.s32 @p2 v2, v3  }
0x166: {  	s10 =	simm.s32 $0xFFFFFE00;
	s5 =	sor.u32 s29, s5;
	s14 =	sadd.s32 @!p2 $0x0, s25;
	v1 =	vadd.s32 @p2 v2, v1;
	[tilespmem:s3+$0x1000] =	vst @p2 v3  }
0x167: {  	s20 =	simm.s32 @p2 $0x1000;
	s26 =	simm.s32 @p2 $0x20;
	s14 =	sand.u32 @!p2 $0x1FFFE780, s14;
	[tilespmem:s3+$0x1010] =	vst @p2 v1  }
0x168: {  	v1 =	vor.u32 s5, v0;
	[tilespmem:s23], [sflag:$0x1] =	stream.indirect.gather @p2 [hbm4b:s2+s26], $0x20, s20, s26, $0xb8;
	[tilespmem:$0x11800] =	vst v63  }
0x169: {  	s3 =	simm.s32 $0x100;
	s20 =	sadd.s32 @!p2 s2, s14;
	s14 =	simm.s32 @!p2 $0x0  }
.LBB2_12:
0x16a: {  	_ =	sdelay $0x1  }
0x16b: {  	[tilespmem:s28], [sflag:$0x1] =	stream.linear.gather @!p2 [hbm4b:s20+s14], $0x400, $0x38;
	[tilespmem:$0x11800] =	vst v63  }
0x16c: {  	v1 =	vld.idx.msk [tilespmem:v1+s7+$0x0], $0xffff;
	_ =	sdelay $0x4  }
0x16d: {  	v2 =	vsub.s32 $0x0, v1  }
0x16e: {  	v2 =	vmin.u32 v1, v2  }
0x16f: {  	v2 =	vxor.u32 $0x80000000, v2  }
0x170: {  	(xrf0) =	vmax.scan.msk.u32 $0xffff, v2;
	_ =	sdelay $0x5  }
0x171: {  	v2, _, _ =	vpop (xrf0)  }
0x172: {  	(v2sf) =	vpush v2, $0xF;
	_ =	sdelay $0x8  }
0x173: {  	s9 =	sadd.s32 $0x1, s9  }
0x174: {  	s11 =	smov.u32 s3;
	s5 =	sand.u32 $0xCF, s9  }
0x175: {  	p3 =	sne.s32 s11, $0x0;
	p6 =	seq.s32 s5, $0x0  }
0x176: {  	p2 =	por !p3, !p6  }
0x177: {  	s23 =	sadd.s32 $0x400, s23;
	s14 =	simm.s32 $0xFFFFFFFF;
	p2 =	por !p2, !p2  }
0x178: {  	s10 =	sadd.s32 $0x20, s10;
	s3 =	sadd.s32 $0x80, s3;
	s14 =	simm.s32 @!p2 $0x0  }
0x179: {  	s1 =	sadd.s32 $0x4, s1;
	s14 =	sshll.u32 s14, $0x4;
	s29 =	spop (v2sf)  }
0x17a: {  	s26 =	rddreg [dreg:$0x4];
	s5 =	sadd.s32 s5, s14;
	p2 =	sne.s32 s29, $0x80000000  }
0x17b: {  	p1 =	sne.s32 s3, $0x800;
	s5 =	sand.u32 $0xFFFFFFF0, s5;
	s14 =	sadd.s32 @p2 s10, s13  }
0x17c: {  	s28 =	smov.u32 s23;
	s5 =	sadd.s32 s26, s5;
	s29 =	sadd.s32 @p2 $0xA00, s14  }
.Ltmp9:
0x17d: {  	s26 =	sand.u32 $0xC, s1;
	v2 =	vlaneseq.u32 @p2;
	s14 =	sadd.s32 @p2 $0xA10, s14;
	v3 =	vadd.s32 @p2 s29, v1;
	(pc) =	sbr.rel @p1 .LBB2_12-.Ltmp9, $4  }
0x17e: {  	s5 =	sor.u32 s26, s5;
	s20 =	sadd.s32 @!p2 s30, s25;
	s26 =	sshra.s32 @p2 s30, $0x2;
	v1 =	vadd.s32 @p2 s14, v1;
	v3 =	vadd.s32 @p2 v2, v3  }
0x17f: {  	s30 =	smov.u32 s11;
	s14 =	sand.u32 @!p2 $0x1FFFE780, s20;
	s29 =	simm.s32 @p2 $0x20;
	v2 =	vadd.s32 @p2 v2, v1;
	[tilespmem:s26+$0x1000] =	vst @p2 v3  }
0x180: {  	s20 =	sadd.s32 @!p2 s2, s14;
	v1 =	vor.u32 s5, v0;
	s5 =	sadd.s32 @p2 $0x1000, s26;
	s14 =	simm.s32 @!p2 $0x0;
	[tilespmem:s26+$0x1010] =	vst @p2 v2  }
0x181: {  	[tilespmem:s23], [sflag:$0x1] =	stream.indirect.gather @p2 [hbm4b:s2+s29], $0x20, s5, s29, $0xb8;
	[tilespmem:$0x11800] =	vst v63  }
0x182: {  	_ =	sdelay $0x2  }
0x183: {  	[tilespmem:s28], [sflag:$0x1] =	stream.linear.gather @!p2 [hbm4b:s20+s14], $0x400, $0x38;
	[tilespmem:$0x11800] =	vst v63  }
0x184: {  	v1 =	vld.idx.msk [tilespmem:v1+s7+$0x0], $0xffff;
	_ =	sdelay $0x4  }
0x185: {  	v2 =	vsub.s32 $0x0, v1  }
0x186: {  	v2 =	vmin.u32 v1, v2  }
0x187: {  	v2 =	vxor.u32 $0x80000000, v2  }
0x188: {  	(xrf0) =	vmax.scan.msk.u32 $0xffff, v2;
	_ =	sdelay $0x5  }
0x189: {  	v2, _, _ =	vpop (xrf0)  }
0x18a: {  	(v2sf) =	vpush v2, $0xF;
	_ =	sdelay $0xe  }
0x18b: {  	s1 =	spop (v2sf)  }
0x18c: {  	s3 =	sadd.s32 $0x20, s10;
	p1 =	sne.s32 s1, $0x80000000  }
0x18d: {  	s1 =	sadd.s32 @p1 s3, s13  }
0x18e: {  	s3 =	sadd.s32 @p1 $0xA00, s1  }
0x18f: {  	v2 =	vlaneseq.u32 @p1;
	s1 =	sadd.s32 @p1 $0xA10, s1;
	v3 =	vadd.s32 @p1 s3, v1  }
0x190: {  	v1 =	vadd.s32 @p1 s1, v1;
	s1 =	sshra.s32 @p1 s30, $0x2;
	v3 =	vadd.s32 @p1 v2, v3  }
0x191: {  	s5 =	sadd.s32 @!p1 s30, s25;
	s10 =	simm.s32 @p1 $0x20;
	v1 =	vadd.s32 @p1 v2, v1;
	[tilespmem:s1+$0x1000] =	vst @p1 v3  }
0x192: {  	s5 =	sand.u32 @!p1 $0x1FFFE780, s5;
	s3 =	sadd.s32 $0x400, s23;
	s9 =	sadd.s32 @p1 $0x1000, s1;
	[tilespmem:s1+$0x1010] =	vst @p1 v1  }
0x193: {  	[tilespmem:s3], [sflag:$0x1] =	stream.indirect.gather @p1 [hbm4b:s2+s10], $0x20, s9, s10, $0xb8;
	[tilespmem:$0x11800] =	vst v63  }
0x194: {  	s1 =	sadd.s32 @!p1 s2, s5;
	s5 =	simm.s32 @!p1 $0x0  }
0x195: {  	[tilespmem:s3], [sflag:$0x1] =	stream.linear.gather @!p1 [hbm4b:s1+s5], $0x400, $0x38;
	[tilespmem:$0x11800] =	vst v63  }
.LBB2_14:
0x196: {  	_ =	swait.ge [sflag:s31], $0x4000  }
.Ltmp10:
0x197: {  	s1 =	sshll.u32 s15, $0xE;
	[sflag:s31] =	ssyncset.done $0x0;
	(pc) =	sbr.rel @p0 .LBB2_18-.Ltmp10, $4  }
0x198: {  	s1 =	sadd.s32 s6, s1;
	[sflag:s31] =	ssyncadd.s32 $0xFFFFC000  }
0x199: {  	s1 =	sshrl.u32 s1, $0x3;
	s3 =	rddreg [dreg:$0x2]  }
0x19a: {  	s30 =	simm.s32 $0x9800;
	s1 =	sadd.s32 s3, s1  }
0x19b: {  	[hbm4b:s1+s7] =	stream.linear.scatter [tilespmem:s30], [sflag:$0x7], $0x4000, $0x38;
	[tilespmem:$0x11800] =	vst v63  }
0x19c: {  	s1 =	sshll.u32 s24, $0x6;
	s3 =	rddreg [dreg:$0x6]  }
0x19d: {  	s1 =	sadd.s32 s1, s3  }
0x19e: {  	s3 =	smulhi.u32 $0x2AAAAAAB, s1;
	_ =	sdelay $0x1  }
0x19f: {  	s3 =	sshll.u32 s3, $0x1  }
0x1a0: {  	s5 =	simm.s32 $0x0;
	s1 =	sand.u32 $0xD0, s1;
	s3 =	sand.u32 $0x3FFFFF00, s3  }
0x1a1: {  	s26 =	sand.u32 $0xC, s5;
	s9 =	sor.u32 s1, s3  }
0x1a2: {  	s1 =	sor.u32 s9, s26  }
0x1a3: {  	v1 =	vor.u32 s1, v0  }
0x1a4: {  	s28 =	simm.s32 $0x6  }
0x1a5: {  	_ =	swait.ge [sflag:s28], $0x4000  }
0x1a6: {  	[sflag:s28] =	ssyncset.done $0x0  }
0x1a7: {  	[sflag:s28] =	ssyncadd.s32 $0xFFFFC000  }
0x1a8: {  	v1 =	vld.idx.msk [tilespmem:v1+s7+$0x0], $0xffff;
	_ =	sdelay $0x4  }
0x1a9: {  	v2 =	vsub.s32 $0x0, v1  }
0x1aa: {  	v2 =	vmin.u32 v1, v2  }
0x1ab: {  	v2 =	vxor.u32 $0x80000000, v2  }
0x1ac: {  	(xrf0) =	vmax.scan.msk.u32 $0xffff, v2;
	_ =	sdelay $0x5  }
0x1ad: {  	v2, _, _ =	vpop (xrf0)  }
0x1ae: {  	(v2sf) =	vpush v2, $0xF;
	_ =	sdelay $0xe  }
0x1af: {  	s29 =	spop (v2sf)  }
0x1b0: {  	p1 =	sne.s32 s29, $0x80000000  }
0x1b1: {  	s1 =	sadd.s32 @p1 $0xFFFFFE00, s13  }
0x1b2: {  	s10 =	simm.s32 $0x5800;
	s3 =	sadd.s32 @p1 $0xC00, s1  }
0x1b3: {  	s23 =	simm.s32 $0xFFFFFE00;
	s15 =	simm.s32 $0x80;
	v2 =	vlaneseq.u32 @p1;
	s1 =	sadd.s32 @p1 $0xC10, s1;
	v3 =	vadd.s32 @p1 s3, v1  }
0x1b4: {  	s5 =	sadd.s32 @!p1 $0x0, s12;
	v1 =	vadd.s32 @p1 s1, v1;
	s3 =	simm.s32 @p1 $0x0;
	s1 =	simm.s32 $0x4;
	v3 =	vadd.s32 @p1 v2, v3  }
0x1b5: {  	s14 =	simm.s32 @p1 $0x1200;
	s5 =	sand.u32 @!p1 $0x1FFFEF80, s5;
	v1 =	vadd.s32 @p1 v2, v1;
	s11 =	sand.u32 $0xC, s1;
	[tilespmem:s3+$0x1200] =	vst @p1 v3  }
0x1b6: {  	s20 =	simm.s32 @p1 $0x20;
	s30 =	sadd.s32 @!p1 s2, s5;
	[tilespmem:s3+$0x1210] =	vst @p1 v1;
	s11 =	sor.u32 s9, s11  }
0x1b7: {  	[tilespmem:s10], [sflag:$0x2] =	stream.indirect.gather @p1 [hbm4b:s2+s20], $0x20, s14, s20, $0xb8;
	v1 =	vor.u32 s11, v0;
	[tilespmem:$0x11800] =	vst v63  }
0x1b8: {  	s3 =	simm.s32 $0x100;
	s14 =	simm.s32 @!p1 $0x0;
	s11 =	simm.s32 $0x5800  }
.LBB2_16:
0x1b9: {  	s10 =	sadd.s32 $0x400, s10  }
0x1ba: {  	s23 =	sadd.s32 $0x20, s23;
	s28 =	smov.u32 s3;
	s3 =	sadd.s32 $0x80, s3  }
0x1bb: {  	[tilespmem:s11], [sflag:$0x2] =	stream.linear.gather @!p1 [hbm4b:s30+s14], $0x400, $0x38;
	[tilespmem:$0x11800] =	vst v63  }
0x1bc: {  	p0 =	sne.s32 s3, $0x800;
	s11 =	smov.u32 s10;
	v1 =	vld.idx.msk [tilespmem:v1+s7+$0x0], $0xffff;
	_ =	sdelay $0x5  }
0x1bd: {  	v2 =	vsub.s32 $0x0, v1  }
0x1be: {  	v2 =	vmin.u32 v1, v2  }
0x1bf: {  	v2 =	vxor.u32 $0x80000000, v2  }
0x1c0: {  	(xrf0) =	vmax.scan.msk.u32 $0xffff, v2;
	_ =	sdelay $0x5  }
0x1c1: {  	v2, _, _ =	vpop (xrf0)  }
0x1c2: {  	(v2sf) =	vpush v2, $0xF;
	_ =	sdelay $0xe  }
0x1c3: {  	s5 =	spop (v2sf)  }
0x1c4: {  	p1 =	sne.s32 s5, $0x80000000  }
0x1c5: {  	s1 =	sadd.s32 $0x4, s1;
	s5 =	sadd.s32 @p1 s23, s13;
	s14 =	sadd.s32 @!p1 s15, s12  }
0x1c6: {  	s20 =	sadd.s32 @p1 $0xC00, s5;
	s5 =	sadd.s32 @p1 $0xC10, s5;
	s14 =	sand.u32 @!p1 $0x1FFFEF80, s14  }
.Ltmp11:
0x1c7: {  	s26 =	sand.u32 $0xC, s1;
	v2 =	vlaneseq.u32 @p1;
	v3 =	vadd.s32 @p1 s20, v1;
	v1 =	vadd.s32 @p1 s5, v1;
	s30 =	sadd.s32 @!p1 s2, s14;
	(pc) =	sbr.rel @p0 .LBB2_16-.Ltmp11, $4  }
0x1c8: {  	s5 =	sor.u32 s9, s26;
	s14 =	sshra.s32 @p1 s15, $0x2;
	s15 =	smov.u32 s28;
	v3 =	vadd.s32 @p1 v2, v3;
	v2 =	vadd.s32 @p1 v2, v1  }
0x1c9: {  	s20 =	simm.s32 @p1 $0x20;
	v1 =	vor.u32 s5, v0;
	s5 =	sadd.s32 @p1 $0x1200, s14;
	[tilespmem:s14+$0x1200] =	vst @p1 v3  }
0x1ca: {  	[tilespmem:s14+$0x1210] =	vst @p1 v2;
	s14 =	simm.s32 @!p1 $0x0  }
0x1cb: {  	[tilespmem:s10], [sflag:$0x2] =	stream.indirect.gather @p1 [hbm4b:s2+s20], $0x20, s5, s20, $0xb8;
	[tilespmem:$0x11800] =	vst v63  }
0x1cc: {  	_ =	sdelay $0x2  }
0x1cd: {  	[tilespmem:s11], [sflag:$0x2] =	stream.linear.gather @!p1 [hbm4b:s30+s14], $0x400, $0x38;
	[tilespmem:$0x11800] =	vst v63  }
0x1ce: {  	v1 =	vld.idx.msk [tilespmem:v1+s7+$0x0], $0xffff;
	_ =	sdelay $0x4  }
0x1cf: {  	v2 =	vsub.s32 $0x0, v1  }
0x1d0: {  	v2 =	vmin.u32 v1, v2  }
0x1d1: {  	v2 =	vxor.u32 $0x80000000, v2  }
0x1d2: {  	(xrf0) =	vmax.scan.msk.u32 $0xffff, v2;
	_ =	sdelay $0x5  }
0x1d3: {  	v2, _, _ =	vpop (xrf0)  }
0x1d4: {  	(v2sf) =	vpush v2, $0xF;
	_ =	sdelay $0xe  }
0x1d5: {  	s1 =	spop (v2sf)  }
0x1d6: {  	s3 =	sadd.s32 $0x20, s23;
	p0 =	sne.s32 s1, $0x80000000  }
0x1d7: {  	s1 =	sadd.s32 @p0 s3, s13  }
0x1d8: {  	s3 =	sadd.s32 @p0 $0xC00, s1  }
0x1d9: {  	v2 =	vlaneseq.u32 @p0;
	s1 =	sadd.s32 @p0 $0xC10, s1;
	v3 =	vadd.s32 @p0 s3, v1  }
0x1da: {  	s5 =	sadd.s32 @!p0 s15, s12;
	v1 =	vadd.s32 @p0 s1, v1;
	s1 =	sshra.s32 @p0 s15, $0x2;
	v3 =	vadd.s32 @p0 v2, v3  }
.Ltmp12:
0x1db: {  	s5 =	sand.u32 @!p0 $0x1FFFEF80, s5;
	v1 =	vadd.s32 @p0 v2, v1;
	[tilespmem:s1+$0x1200] =	vst @p0 v3;
	(pc) =	sbr.rel .LBB2_18-.Ltmp12, $4  }
0x1dc: {  	s3 =	sadd.s32 $0x400, s10;
	s10 =	simm.s32 @p0 $0x20;
	s9 =	sadd.s32 @p0 $0x1200, s1;
	[tilespmem:s1+$0x1210] =	vst @p0 v1  }
0x1dd: {  	[tilespmem:s3], [sflag:$0x2] =	stream.indirect.gather @p0 [hbm4b:s2+s10], $0x20, s9, s10, $0xb8;
	[tilespmem:$0x11800] =	vst v63  }
0x1de: {  	s1 =	sadd.s32 @!p0 s2, s5;
	s5 =	simm.s32 @!p0 $0x0  }
0x1df: {  	[tilespmem:s3], [sflag:$0x2] =	stream.linear.gather @!p0 [hbm4b:s1+s5], $0x400, $0x38;
	[tilespmem:$0x11800] =	vst v63  }
.LBB2_20:
0x1e0: {  	_ =	sfence.sel $0x180000  }
0x1e1: {  	[bflag:$0x0] =	sbarrier.arrive $0xFFFF  }
0x1e2: {  	_ =	strace $0x90000047  }
0x1e3: {  	s0 =	stileid.u32;
	[bflag:$0x2] =	sbarrier.arrive $0xFFFF  }
0x1e4: {  	p0 =	sne.s32 s0, $0x0;
	s0 =	rddreg [dreg:$0x3]  }
0x1e5: {  	s0 =	sadd.s32 @!p0 $0x100000, s0  }
0x1e6: {  	[sflag:s0] =	ssyncadd.tile.s32 @!p0 $0x1;
	_ =	shalt  }
.Lfunc_end2:
_tile_overlayer_lowered:
.L_overlay_start_2:
0x1e7: {  	(tag) =	ssettag $0x2  }
0x1e8: {  	s0 =	rddreg [dreg:$0x0];
	s2 =	stileid.u32  }
0x1e9: {  	s1 =	rddreg [dreg:$0x1];
	p0 =	sne.s32 s2, $0x0  }
0x1ea: {  	s3 =	rddreg [dreg:$0x2];
	[bflag:$0x3] =	sbarrier.arrive $0xFFFF;
	s2 =	simm.s32 @!p0 $0x1C09  }
0x1eb: {  	[timem:s3], [sflag:s2] =	dma.local @!p0 [hbm:s0], s1  }
0x1ec: {  	s0 =	simm.s32 @!p0 $0x9  }
0x1ed: {  	_ =	swait.ge @!p0 [sflag:s0], s1  }
0x1ee: {  	s1 =	ssub.s32 @!p0 $0x0, s1;
	[sflag:s0] =	ssyncset.done @!p0 $0x0  }
0x1ef: {  	[sflag:s0] =	ssyncadd.s32 @!p0 s1  }
0x1f0: {  	[bflag:$0x3] =	sbarrier.arrive $0xFFFF  }
0x1f1: {  	_ =	shalt  }

</sc_bundles>
